<compile_context>
chip_gen: v7x
topology: tpu7x:2x2x1
jax: 0.10.2.dev20260603
libtpu: 0.0.44.dev20260713+nightly
codegen_flags: <defaults>
</compile_context>

<pallas_src>
import functools

import jax
import jax.numpy as jnp
from jax import lax
from jax.experimental import pallas as pl
from jax.experimental.pallas import tpu as pltpu
from jax.experimental.pallas import tpu_sc as plsc

LANES = 128
NCORES = 2
NSUB = 16
NW = NCORES * NSUB
GRP = 4


def _sc_aggregate_body(n_acc, n_r, x_hbm, src_hbm, dst_hbm,
                       partial_hbm, deg_hbm,
                       acc_sh, deg_sh, src_v, dst_v, rows_v, ones_v, zvec_v,
                       sem_g, sem_s, sem_d, sem_i):
    cid = lax.axis_index("c")
    sid = lax.axis_index("s")
    wid = cid * NSUB + sid
    rows_per_tile = n_acc // NSUB
    tbase = sid * rows_per_tile
    ngrp = n_r // GRP

    def zrow(r, _):
        for c in range(8):
            rows_v[0, r, pl.ds(c * 16, 16)] = jnp.zeros((16,), jnp.float32)
        return _
    lax.fori_loop(0, LANES, zrow, 0)

    def zvec(i, _):
        zvec_v[pl.ds(i * 16, 16)] = jnp.zeros((16,), jnp.float32)
        return _
    lax.fori_loop(0, rows_per_tile // 16, zvec, 0)

    def ovec(i, _):
        ones_v[pl.ds(i * 16, 16)] = jnp.ones((16,), jnp.float32)
        return _
    lax.fori_loop(0, LANES // 16, ovec, 0)

    for k in range(rows_per_tile // LANES):
        pltpu.sync_copy(rows_v.at[0], acc_sh.at[pl.ds(tbase + k * LANES, LANES)])
    pltpu.sync_copy(zvec_v, deg_sh.at[pl.ds(tbase, rows_per_tile)])
    plsc.subcore_barrier()

    def idx_start(g, ib):
        pltpu.async_copy(src_hbm.at[pl.ds((wid * ngrp + g) * GRP, GRP)],
                         src_v.at[ib], sem_i.at[0])
        pltpu.async_copy(dst_hbm.at[pl.ds((wid * ngrp + g) * GRP, GRP)],
                         dst_v.at[ib], sem_i.at[1])

    def idx_wait(g, ib):
        pltpu.make_async_copy(src_hbm.at[pl.ds((wid * ngrp + g) * GRP, GRP)],
                              src_v.at[ib], sem_i.at[0]).wait()
        pltpu.make_async_copy(dst_hbm.at[pl.ds((wid * ngrp + g) * GRP, GRP)],
                              dst_v.at[ib], sem_i.at[1]).wait()

    def gather_start(ib, t, b):
        pltpu.async_copy(x_hbm.at[src_v.at[ib, t]], rows_v.at[b], sem_g.at[b])

    def gather_wait(ib, t, b):
        pltpu.make_async_copy(x_hbm.at[src_v.at[ib, t]], rows_v.at[b],
                              sem_g.at[b]).wait()

    def scatter_start(ib, t, b):
        pltpu.async_copy(rows_v.at[b], acc_sh.at[dst_v.at[ib, t]],
                         sem_s.at[b], add=True)
        pltpu.async_copy(ones_v, deg_sh.at[dst_v.at[ib, t]], sem_d.at[b],
                         add=True)

    def scatter_wait(ib, t, b):
        pltpu.make_async_copy(rows_v.at[b], acc_sh.at[dst_v.at[ib, t]],
                              sem_s.at[b]).wait()
        pltpu.make_async_copy(ones_v, deg_sh.at[dst_v.at[ib, t]],
                              sem_d.at[b]).wait()

    idx_start(0, 0)
    idx_wait(0, 0)
    if ngrp > 1:
        idx_start(1, 1)
    gather_start(0, 0, 0)
    gather_start(0, 1, 1)

    def outer(g, carry):
        gb = lax.rem(g, 2)
        for t in range(GRP):
            b = t % 2
            if t == 0:
                @pl.when(g + 1 < ngrp)
                def _wait_next_idx():
                    idx_wait(g + 1, 1 - gb)
            gather_wait(gb, t, b)
            scatter_start(gb, t, b)
            scatter_wait(gb, t, b)
            if t < GRP - 2:
                gather_start(gb, t + 2, b)
            else:
                @pl.when(g + 1 < ngrp)
                def _prefetch_rows(t=t, b=b):
                    gather_start(1 - gb, t + 2 - GRP, b)
            if t == GRP - 1:
                @pl.when(g + 2 < ngrp)
                def _prefetch_idx():
                    idx_start(g + 2, gb)
        return carry
    lax.fori_loop(0, ngrp, outer, 0)
    plsc.subcore_barrier()

    obase = cid * n_acc + tbase
    for k in range(rows_per_tile // LANES):
        pltpu.sync_copy(acc_sh.at[pl.ds(tbase + k * LANES, LANES)],
                        partial_hbm.at[pl.ds(obase + k * LANES, LANES)])
    pltpu.sync_copy(deg_sh.at[pl.ds(tbase, rows_per_tile)],
                    deg_hbm.at[pl.ds(obase, rows_per_tile)])


def _sc_aggregate(x, src2d, dst2d, n_acc, rows_per_w):
    d = x.shape[1]
    rows_per_tile = n_acc // NSUB
    mesh = plsc.VectorSubcoreMesh(core_axis_name="c", subcore_axis_name="s")
    body = functools.partial(_sc_aggregate_body, n_acc, rows_per_w)
    return pl.kernel(
        body,
        out_type=(
            jax.ShapeDtypeStruct((NCORES * n_acc, d), jnp.float32),
            jax.ShapeDtypeStruct((NCORES * n_acc,), jnp.float32),
        ),
        mesh=mesh,
        scratch_types=[
            pltpu.VMEM_SHARED((n_acc, d), jnp.float32),
            pltpu.VMEM_SHARED((n_acc,), jnp.float32),
            pltpu.VMEM((2, GRP, LANES), jnp.int32),
            pltpu.VMEM((2, GRP, LANES), jnp.int32),
            pltpu.VMEM((2, LANES, d), jnp.float32),
            pltpu.VMEM((LANES,), jnp.float32),
            pltpu.VMEM((rows_per_tile,), jnp.float32),
            pltpu.SemaphoreType.DMA((2,)),
            pltpu.SemaphoreType.DMA((2,)),
            pltpu.SemaphoreType.DMA((2,)),
            pltpu.SemaphoreType.DMA((2,)),
        ],
    )(x, src2d, dst2d)


def _tc_update_body(nblk, p0, p1, deg, x, wn, ws, out):
    br = out.shape[0]
    msg = p0[...] + p1[...]
    d = deg[0:1, :] + deg[1:2, :]
    r = 1.0 / jnp.maximum(d, 1.0)
    ii = lax.broadcasted_iota(jnp.int32, (br, br), 0)
    jj = lax.broadcasted_iota(jnp.int32, (br, br), 1)
    diag = jnp.where(ii == jj, jnp.broadcast_to(r, (br, br)), 0.0)
    rcol = jnp.sum(diag, axis=1, keepdims=True)
    h = msg * rcol
    out[...] = (jnp.dot(h, wn[...], preferred_element_type=jnp.float32)
                + jnp.dot(x[...], ws[...], preferred_element_type=jnp.float32))


def _tc_update(partial, deg2, x, w_neigh, w_self, n_acc):
    n, d = x.shape
    br = 256
    nblk = n_acc // br
    return pl.pallas_call(
        functools.partial(_tc_update_body, nblk),
        grid=(nblk,),
        in_specs=[
            pl.BlockSpec((br, d), lambda i: (i, 0)),
            pl.BlockSpec((br, d), lambda i: (i + nblk, 0)),
            pl.BlockSpec((NCORES, br), lambda i: (0, i)),
            pl.BlockSpec((br, d), lambda i: (i, 0)),
            pl.BlockSpec((d, d), lambda i: (0, 0)),
            pl.BlockSpec((d, d), lambda i: (0, 0)),
        ],
        out_specs=pl.BlockSpec((br, d), lambda i: (i, 0)),
        out_shape=jax.ShapeDtypeStruct((n, d), jnp.float32),
    )(partial, partial, deg2, x, w_neigh, w_self)


def kernel(x, edge_index, W_neigh, W_self):
    n, d = x.shape
    e = edge_index.shape[1]
    n_acc = ((n + 1 + NSUB * LANES - 1) // (NSUB * LANES)) * (NSUB * LANES)
    rows_per_w = (e + NW * LANES - 1) // (NW * LANES)
    rows_per_w = ((rows_per_w + GRP - 1) // GRP) * GRP
    e_pad = NW * rows_per_w * LANES

    src = edge_index[0].astype(jnp.int32)
    dst = edge_index[1].astype(jnp.int32)
    padi = jnp.arange(e_pad - e, dtype=jnp.int32)
    src_p = jnp.concatenate([src, padi % n])
    dst_p = jnp.concatenate([dst, n + padi % (n_acc - n)])
    src2d = src_p.reshape(NW * rows_per_w, LANES)
    dst2d = dst_p.reshape(NW * rows_per_w, LANES)

    partial, deg = _sc_aggregate(x, src2d, dst2d, n_acc, rows_per_w)
    return _tc_update(partial, deg.reshape(NCORES, n_acc), x,
                      W_neigh, W_self, n_acc)

# --- scband reference (transcript-rebuilt; emitter-appended) ---
"""Pipeline reference for scband-graph-sage-51745765982698 (READ-ONLY COPY).

The authoritative reference and input builder live on the scoring server;
editing this copy changes nothing except your own understanding.
"""

import jax, jax.numpy as jnp
import numpy as np

N = 10000
E = 320000
D = 128
F = 128

def setup_inputs(seed: int = 0) -> dict:
    key = jax.random.key(seed)
    k1, k2, k3, k4 = jax.random.split(key, 4)
    x = jax.random.normal(k1, (N, D), dtype=jnp.float32)
    edge_index = jax.random.randint(k2, (2, E), 0, N, dtype=jnp.int64)
    W_neigh = jax.random.normal(k3, (D, F), dtype=jnp.float32) * 0.05
    W_self = jax.random.normal(k4, (D, F), dtype=jnp.float32) * 0.05
    return {"x": x, "edge_index": edge_index, "W_neigh": W_neigh, "W_self": W_self}

def reference(x, edge_index, W_neigh, W_self):
    # GraphSAGE with 'mean' aggregator (DGL-style update_all(copy_src, mean)).
    src = edge_index[0]
    dst = edge_index[1]
    # copy_src: gather source node features as messages
    msg = jnp.take(x, src, axis=0)
    # mean over incoming messages per destination node
    msg_sum = jax.ops.segment_sum(msg, dst, num_segments=N)
    deg = jax.ops.segment_sum(jnp.ones((E,), dtype=x.dtype), dst, num_segments=N)
    h_neigh = msg_sum / jnp.maximum(deg, 1.0)[:, None]
    # Dense(features, use_bias=False) on neighbor aggregate
    h_neigh_proj = h_neigh @ W_neigh
    # rst = h_neigh + Dense(features, use_bias=False)(h_self)
    rst = h_neigh_proj + x @ W_self
    # activation is None -> identity
    return rst

if __name__ == "__main__":
    import jax
    _d = setup_inputs()
    print(jax.jit(kernel)(*tuple(_d.values())))

</pallas_src>

<mosaic_0001>
#map = affine_map<(d0, d1) -> (0, 0)>
#map1 = affine_map<(d0, d1) -> (0)>
module attributes {stable_mosaic.version = 14 : i64} {
  func.func @_sc_aggregate_body(%arg0: i32, %arg1: i32, %arg2: memref<10000x128xf32, #tpu.memory_space<hbm>>, %arg3: memref<2560x128xi32, #tpu.memory_space<hbm>>, %arg4: memref<2560x128xi32, #tpu.memory_space<hbm>>, %arg5: memref<20480x128xf32, #tpu.memory_space<hbm>>, %arg6: memref<20480xf32, #tpu.memory_space<hbm>>, %arg7: memref<10240x128xf32, #tpu.memory_space<vmem_shared>>, %arg8: memref<10240xf32, #tpu.memory_space<vmem_shared>>, %arg9: memref<2x4x128xi32, #tpu.memory_space<vmem>>, %arg10: memref<2x4x128xi32, #tpu.memory_space<vmem>>, %arg11: memref<2x128x128xf32, #tpu.memory_space<vmem>>, %arg12: memref<128xf32, #tpu.memory_space<vmem>>, %arg13: memref<640xf32, #tpu.memory_space<vmem>>, %arg14: memref<2x!tpu.dma_semaphore, #tpu.memory_space<semaphore_mem>>, %arg15: memref<2x!tpu.dma_semaphore, #tpu.memory_space<semaphore_mem>>, %arg16: memref<2x!tpu.dma_semaphore, #tpu.memory_space<semaphore_mem>>, %arg17: memref<2x!tpu.dma_semaphore, #tpu.memory_space<semaphore_mem>>) attributes {dimension_semantics = [#tpu.dimension_semantics<core_parallel>, #tpu.dimension_semantics<subcore_parallel>], iteration_bounds = array<i64: 2, 16>, scalar_prefetch = 0 : i64, scratch_operands = 11 : i64, tpu.core_type = #tpu.core_type<sc_vector_subcore>, window_params = [{transform_indices = #map}, {transform_indices = #map}, {transform_indices = #map}, {transform_indices = #map}, {transform_indices = #map1}]} {
    %mul3A = arith.constant 16 : i32
    %mul3A_0 = arith.muli %arg0, %mul3A : i32
    %add3A = arith.addi %mul3A_0, %arg1 : i32
    %mul3A_1 = arith.constant 640 : i32
    %mul3A_2 = arith.muli %arg1, %mul3A_1 : i32
    %scan3A = arith.constant 0 : i32
    %scan3A_3 = arith.constant 0 : i32
    %scan3A_4 = arith.constant 128 : i32
    %scan3A_5 = arith.addi %scan3A_3, %scan3A_4 : i32
    %scan3A_6 = arith.constant 1 : i32
    scf.for %scan3A_226 = %scan3A_3 to %scan3A_5 step %scan3A_6  : i32 {
      %broadcast_in_dim3A = arith.constant 0.000000e+00 : f32
      %broadcast_in_dim3A_227 = vector.broadcast %broadcast_in_dim3A : f32 to vector<16xf32>
      %swap3A = arith.constant 0 : i32
      %swap3A_228 = arith.index_cast %swap3A : i32 to index
      %swap3A_229 = arith.index_cast %scan3A_226 : i32 to index
      %swap3A_230 = arith.constant 0 : index
      %swap3A_231 = tpu.vector_load %arg11[%swap3A_228, %swap3A_229, %swap3A_230] {strides = array<i32>} : memref<2x128x128xf32, #tpu.memory_space<vmem>>, vector<1x1x16xf32>,
      %swap3A_232 = vector.shape_cast %swap3A_231 : vector<1x1x16xf32> to vector<16xf32>
      %swap3A_233 = vector.shape_cast %broadcast_in_dim3A_227 : vector<16xf32> to vector<1x1x16xf32>
      tpu.vector_store %arg11[%swap3A_228, %swap3A_229, %swap3A_230], %swap3A_233 {strides = array<i32>} : memref<2x128x128xf32, #tpu.memory_space<vmem>>, vector<1x1x16xf32>,
      %broadcast_in_dim3A_234 = arith.constant 0.000000e+00 : f32
      %broadcast_in_dim3A_235 = vector.broadcast %broadcast_in_dim3A_234 : f32 to vector<16xf32>
      %swap3A_236 = arith.constant 0 : i32
      %swap3A_237 = arith.index_cast %swap3A_236 : i32 to index
      %swap3A_238 = arith.index_cast %scan3A_226 : i32 to index
      %swap3A_239 = arith.constant 16 : index
      %swap3A_240 = tpu.vector_load %arg11[%swap3A_237, %swap3A_238, %swap3A_239] {strides = array<i32>} : memref<2x128x128xf32, #tpu.memory_space<vmem>>, vector<1x1x16xf32>,
      %swap3A_241 = vector.shape_cast %swap3A_240 : vector<1x1x16xf32> to vector<16xf32>
      %swap3A_242 = vector.shape_cast %broadcast_in_dim3A_235 : vector<16xf32> to vector<1x1x16xf32>
      tpu.vector_store %arg11[%swap3A_237, %swap3A_238, %swap3A_239], %swap3A_242 {strides = array<i32>} : memref<2x128x128xf32, #tpu.memory_space<vmem>>, vector<1x1x16xf32>,
      %broadcast_in_dim3A_243 = arith.constant 0.000000e+00 : f32
      %broadcast_in_dim3A_244 = vector.broadcast %broadcast_in_dim3A_243 : f32 to vector<16xf32>
      %swap3A_245 = arith.constant 0 : i32
      %swap3A_246 = arith.index_cast %swap3A_245 : i32 to index
      %swap3A_247 = arith.index_cast %scan3A_226 : i32 to index
      %swap3A_248 = arith.constant 32 : index
      %swap3A_249 = tpu.vector_load %arg11[%swap3A_246, %swap3A_247, %swap3A_248] {strides = array<i32>} : memref<2x128x128xf32, #tpu.memory_space<vmem>>, vector<1x1x16xf32>,
      %swap3A_250 = vector.shape_cast %swap3A_249 : vector<1x1x16xf32> to vector<16xf32>
      %swap3A_251 = vector.shape_cast %broadcast_in_dim3A_244 : vector<16xf32> to vector<1x1x16xf32>
      tpu.vector_store %arg11[%swap3A_246, %swap3A_247, %swap3A_248], %swap3A_251 {strides = array<i32>} : memref<2x128x128xf32, #tpu.memory_space<vmem>>, vector<1x1x16xf32>,
      %broadcast_in_dim3A_252 = arith.constant 0.000000e+00 : f32
      %broadcast_in_dim3A_253 = vector.broadcast %broadcast_in_dim3A_252 : f32 to vector<16xf32>
      %swap3A_254 = arith.constant 0 : i32
      %swap3A_255 = arith.index_cast %swap3A_254 : i32 to index
      %swap3A_256 = arith.index_cast %scan3A_226 : i32 to index
      %swap3A_257 = arith.constant 48 : index
      %swap3A_258 = tpu.vector_load %arg11[%swap3A_255, %swap3A_256, %swap3A_257] {strides = array<i32>} : memref<2x128x128xf32, #tpu.memory_space<vmem>>, vector<1x1x16xf32>,
      %swap3A_259 = vector.shape_cast %swap3A_258 : vector<1x1x16xf32> to vector<16xf32>
      %swap3A_260 = vector.shape_cast %broadcast_in_dim3A_253 : vector<16xf32> to vector<1x1x16xf32>
      tpu.vector_store %arg11[%swap3A_255, %swap3A_256, %swap3A_257], %swap3A_260 {strides = array<i32>} : memref<2x128x128xf32, #tpu.memory_space<vmem>>, vector<1x1x16xf32>,
      %broadcast_in_dim3A_261 = arith.constant 0.000000e+00 : f32
      %broadcast_in_dim3A_262 = vector.broadcast %broadcast_in_dim3A_261 : f32 to vector<16xf32>
      %swap3A_263 = arith.constant 0 : i32
      %swap3A_264 = arith.index_cast %swap3A_263 : i32 to index
      %swap3A_265 = arith.index_cast %scan3A_226 : i32 to index
      %swap3A_266 = arith.constant 64 : index
      %swap3A_267 = tpu.vector_load %arg11[%swap3A_264, %swap3A_265, %swap3A_266] {strides = array<i32>} : memref<2x128x128xf32, #tpu.memory_space<vmem>>, vector<1x1x16xf32>,
      %swap3A_268 = vector.shape_cast %swap3A_267 : vector<1x1x16xf32> to vector<16xf32>
      %swap3A_269 = vector.shape_cast %broadcast_in_dim3A_262 : vector<16xf32> to vector<1x1x16xf32>
      tpu.vector_store %arg11[%swap3A_264, %swap3A_265, %swap3A_266], %swap3A_269 {strides = array<i32>} : memref<2x128x128xf32, #tpu.memory_space<vmem>>, vector<1x1x16xf32>,
      %broadcast_in_dim3A_270 = arith.constant 0.000000e+00 : f32
      %broadcast_in_dim3A_271 = vector.broadcast %broadcast_in_dim3A_270 : f32 to vector<16xf32>
      %swap3A_272 = arith.constant 0 : i32
      %swap3A_273 = arith.index_cast %swap3A_272 : i32 to index
      %swap3A_274 = arith.index_cast %scan3A_226 : i32 to index
      %swap3A_275 = arith.constant 80 : index
      %swap3A_276 = tpu.vector_load %arg11[%swap3A_273, %swap3A_274, %swap3A_275] {strides = array<i32>} : memref<2x128x128xf32, #tpu.memory_space<vmem>>, vector<1x1x16xf32>,
      %swap3A_277 = vector.shape_cast %swap3A_276 : vector<1x1x16xf32> to vector<16xf32>
      %swap3A_278 = vector.shape_cast %broadcast_in_dim3A_271 : vector<16xf32> to vector<1x1x16xf32>
      tpu.vector_store %arg11[%swap3A_273, %swap3A_274, %swap3A_275], %swap3A_278 {strides = array<i32>} : memref<2x128x128xf32, #tpu.memory_space<vmem>>, vector<1x1x16xf32>,
      %broadcast_in_dim3A_279 = arith.constant 0.000000e+00 : f32
      %broadcast_in_dim3A_280 = vector.broadcast %broadcast_in_dim3A_279 : f32 to vector<16xf32>
      %swap3A_281 = arith.constant 0 : i32
      %swap3A_282 = arith.index_cast %swap3A_281 : i32 to index
      %swap3A_283 = arith.index_cast %scan3A_226 : i32 to index
      %swap3A_284 = arith.constant 96 : index
      %swap3A_285 = tpu.vector_load %arg11[%swap3A_282, %swap3A_283, %swap3A_284] {strides = array<i32>} : memref<2x128x128xf32, #tpu.memory_space<vmem>>, vector<1x1x16xf32>,
      %swap3A_286 = vector.shape_cast %swap3A_285 : vector<1x1x16xf32> to vector<16xf32>
      %swap3A_287 = vector.shape_cast %broadcast_in_dim3A_280 : vector<16xf32> to vector<1x1x16xf32>
      tpu.vector_store %arg11[%swap3A_282, %swap3A_283, %swap3A_284], %swap3A_287 {strides = array<i32>} : memref<2x128x128xf32, #tpu.memory_space<vmem>>, vector<1x1x16xf32>,
      %broadcast_in_dim3A_288 = arith.constant 0.000000e+00 : f32
      %broadcast_in_dim3A_289 = vector.broadcast %broadcast_in_dim3A_288 : f32 to vector<16xf32>
      %swap3A_290 = arith.constant 0 : i32
      %swap3A_291 = arith.index_cast %swap3A_290 : i32 to index
      %swap3A_292 = arith.index_cast %scan3A_226 : i32 to index
      %swap3A_293 = arith.constant 112 : index
      %swap3A_294 = tpu.vector_load %arg11[%swap3A_291, %swap3A_292, %swap3A_293] {strides = array<i32>} : memref<2x128x128xf32, #tpu.memory_space<vmem>>, vector<1x1x16xf32>,
      %swap3A_295 = vector.shape_cast %swap3A_294 : vector<1x1x16xf32> to vector<16xf32>
      %swap3A_296 = vector.shape_cast %broadcast_in_dim3A_289 : vector<16xf32> to vector<1x1x16xf32>
      tpu.vector_store %arg11[%swap3A_291, %swap3A_292, %swap3A_293], %swap3A_296 {strides = array<i32>} : memref<2x128x128xf32, #tpu.memory_space<vmem>>, vector<1x1x16xf32>,
    }
    %scan3A_7 = arith.constant 128 : i32
    %scan3A_8 = arith.constant 0 : i32
    %scan3A_9 = arith.constant 0 : i32
    %scan3A_10 = arith.constant 40 : i32
    %scan3A_11 = arith.addi %scan3A_9, %scan3A_10 : i32
    %scan3A_12 = arith.constant 1 : i32
    scf.for %scan3A_226 = %scan3A_9 to %scan3A_11 step %scan3A_12  : i32 {
      %broadcast_in_dim3A = arith.constant 0.000000e+00 : f32
      %broadcast_in_dim3A_227 = vector.broadcast %broadcast_in_dim3A : f32 to vector<16xf32>
      %mul3A_228 = arith.constant 16 : i32
      %mul3A_229 = arith.muli %scan3A_226, %mul3A_228 : i32
      %swap3A = arith.index_cast %mul3A_229 : i32 to index
      %swap3A_230 = tpu.vector_load %arg13[%swap3A] {strides = array<i32>} : memref<640xf32, #tpu.memory_space<vmem>>, vector<16xf32>,
      %swap3A_231 = vector.shape_cast %swap3A_230 : vector<16xf32> to vector<16xf32>
      %swap3A_232 = vector.shape_cast %broadcast_in_dim3A_227 : vector<16xf32> to vector<16xf32>
      tpu.vector_store %arg13[%swap3A], %swap3A_232 {strides = array<i32>} : memref<640xf32, #tpu.memory_space<vmem>>, vector<16xf32>,
    }
    %scan3A_13 = arith.constant 40 : i32
    %scan3A_14 = arith.constant 0 : i32
    %scan3A_15 = arith.constant 0 : i32
    %scan3A_16 = arith.constant 8 : i32
    %scan3A_17 = arith.addi %scan3A_15, %scan3A_16 : i32
    %scan3A_18 = arith.constant 1 : i32
    scf.for %scan3A_226 = %scan3A_15 to %scan3A_17 step %scan3A_18  : i32 {
      %broadcast_in_dim3A = arith.constant 1.000000e+00 : f32
      %broadcast_in_dim3A_227 = vector.broadcast %broadcast_in_dim3A : f32 to vector<16xf32>
      %mul3A_228 = arith.constant 16 : i32
      %mul3A_229 = arith.muli %scan3A_226, %mul3A_228 : i32
      %swap3A = arith.index_cast %mul3A_229 : i32 to index
      %swap3A_230 = tpu.vector_load %arg12[%swap3A] {strides = array<i32>} : memref<128xf32, #tpu.memory_space<vmem>>, vector<16xf32>,
      %swap3A_231 = vector.shape_cast %swap3A_230 : vector<16xf32> to vector<16xf32>
      %swap3A_232 = vector.shape_cast %broadcast_in_dim3A_227 : vector<16xf32> to vector<16xf32>
      tpu.vector_store %arg12[%swap3A], %swap3A_232 {strides = array<i32>} : memref<128xf32, #tpu.memory_space<vmem>>, vector<16xf32>,
    }
    %scan3A_19 = arith.constant 8 : i32
    %add3A_20 = arith.constant 0 : i32
    %add3A_21 = arith.addi %mul3A_2, %add3A_20 : i32
    %run_scoped3A = arith.constant 0 : i32
    "tpu.region"() ({
      %run_scoped3A_226 = tpu.sem_alloc : memref<!tpu.dma_semaphore, #tpu.memory_space<semaphore_mem>>
      %dma_start3A_227 = arith.constant 0 : i32
      %dma_start3A_228 = arith.constant 0 : i32
      %dma_start3A_229 = tpu.memref_slice %arg11[%run_scoped3A, %dma_start3A_227, %dma_start3A_228] : memref<2x128x128xf32, #tpu.memory_space<vmem>> -> memref<1x128x128xf32, #tpu.memory_space<vmem>>
      %dma_start3A_230 = tpu.memref_squeeze %dma_start3A_229 : memref<1x128x128xf32, #tpu.memory_space<vmem>> -> memref<128x128xf32, #tpu.memory_space<vmem>>
      %dma_start3A_231 = arith.constant 0 : i32
      %dma_start3A_232 = tpu.memref_slice %arg7[%add3A_21, %dma_start3A_231] : memref<10240x128xf32, #tpu.memory_space<vmem_shared>> -> memref<128x128xf32, #tpu.memory_space<vmem_shared>>
      %dma_start3A_233 = arith.constant 0 : i32
      %dma_start3A_234 = tpu.memref_slice %arg7[%add3A_21, %dma_start3A_233] : memref<10240x128xf32, #tpu.memory_space<vmem_shared>> -> memref<128x128xf32, #tpu.memory_space<vmem_shared>>
      %dma_start3A_235 = arith.constant 0 : i32
      %dma_start3A_236 = arith.constant 0 : i32
      %dma_start3A_237 = tpu.memref_slice %arg11[%run_scoped3A, %dma_start3A_235, %dma_start3A_236] : memref<2x128x128xf32, #tpu.memory_space<vmem>> -> memref<1x128x128xf32, #tpu.memory_space<vmem>>
      %dma_start3A_238 = tpu.memref_squeeze %dma_start3A_237 : memref<1x128x128xf32, #tpu.memory_space<vmem>> -> memref<128x128xf32, #tpu.memory_space<vmem>>
      tpu.enqueue_dma source(%dma_start3A_238 : memref<128x128xf32, #tpu.memory_space<vmem>>) target(%dma_start3A_234 : memref<128x128xf32, #tpu.memory_space<vmem_shared>>) target_semaphore(%run_scoped3A_226 : memref<!tpu.dma_semaphore, #tpu.memory_space<semaphore_mem>>)
      %dma_wait3A_239 = arith.constant 0 : i32
      %dma_wait3A_240 = arith.constant 0 : i32
      %dma_wait3A_241 = tpu.memref_slice %arg11[%run_scoped3A, %dma_wait3A_239, %dma_wait3A_240] : memref<2x128x128xf32, #tpu.memory_space<vmem>> -> memref<1x128x128xf32, #tpu.memory_space<vmem>>
      %dma_wait3A_242 = tpu.memref_squeeze %dma_wait3A_241 : memref<1x128x128xf32, #tpu.memory_space<vmem>> -> memref<128x128xf32, #tpu.memory_space<vmem>>
      %dma_wait3A_243 = arith.constant 0 : i32
      %dma_wait3A_244 = tpu.memref_slice %arg7[%add3A_21, %dma_wait3A_243] : memref<10240x128xf32, #tpu.memory_space<vmem_shared>> -> memref<128x128xf32, #tpu.memory_space<vmem_shared>>
      %dma_wait3A_245 = arith.constant 0 : i32
      %dma_wait3A_246 = tpu.memref_slice %arg7[%add3A_21, %dma_wait3A_245] : memref<10240x128xf32, #tpu.memory_space<vmem_shared>> -> memref<128x128xf32, #tpu.memory_space<vmem_shared>>
      %dma_wait3A_247 = arith.constant 0 : i32
      %dma_wait3A_248 = arith.constant 0 : i32
      %dma_wait3A_249 = tpu.memref_slice %arg11[%run_scoped3A, %dma_wait3A_247, %dma_wait3A_248] : memref<2x128x128xf32, #tpu.memory_space<vmem>> -> memref<1x128x128xf32, #tpu.memory_space<vmem>>
      %dma_wait3A_250 = tpu.memref_squeeze %dma_wait3A_249 : memref<1x128x128xf32, #tpu.memory_space<vmem>> -> memref<128x128xf32, #tpu.memory_space<vmem>>
      tpu.wait_dma2 semaphore(%run_scoped3A_226 : memref<!tpu.dma_semaphore, #tpu.memory_space<semaphore_mem>>) src(%dma_wait3A_250 : memref<128x128xf32, #tpu.memory_space<vmem>>) dst(%dma_wait3A_246 : memref<128x128xf32, #tpu.memory_space<vmem_shared>>)
      tpu.yield
    }) : () -> ()
    %add3A_22 = arith.constant 128 : i32
    %add3A_23 = arith.addi %mul3A_2, %add3A_22 : i32
    %run_scoped3A_24 = arith.constant 0 : i32
    "tpu.region"() ({
      %run_scoped3A_226 = tpu.sem_alloc : memref<!tpu.dma_semaphore, #tpu.memory_space<semaphore_mem>>
      %dma_start3A_227 = arith.constant 0 : i32
      %dma_start3A_228 = arith.constant 0 : i32
      %dma_start3A_229 = tpu.memref_slice %arg11[%run_scoped3A_24, %dma_start3A_227, %dma_start3A_228] : memref<2x128x128xf32, #tpu.memory_space<vmem>> -> memref<1x128x128xf32, #tpu.memory_space<vmem>>
      %dma_start3A_230 = tpu.memref_squeeze %dma_start3A_229 : memref<1x128x128xf32, #tpu.memory_space<vmem>> -> memref<128x128xf32, #tpu.memory_space<vmem>>
      %dma_start3A_231 = arith.constant 0 : i32
      %dma_start3A_232 = tpu.memref_slice %arg7[%add3A_23, %dma_start3A_231] : memref<10240x128xf32, #tpu.memory_space<vmem_shared>> -> memref<128x128xf32, #tpu.memory_space<vmem_shared>>
      %dma_start3A_233 = arith.constant 0 : i32
      %dma_start3A_234 = tpu.memref_slice %arg7[%add3A_23, %dma_start3A_233] : memref<10240x128xf32, #tpu.memory_space<vmem_shared>> -> memref<128x128xf32, #tpu.memory_space<vmem_shared>>
      %dma_start3A_235 = arith.constant 0 : i32
      %dma_start3A_236 = arith.constant 0 : i32
      %dma_start3A_237 = tpu.memref_slice %arg11[%run_scoped3A_24, %dma_start3A_235, %dma_start3A_236] : memref<2x128x128xf32, #tpu.memory_space<vmem>> -> memref<1x128x128xf32, #tpu.memory_space<vmem>>
      %dma_start3A_238 = tpu.memref_squeeze %dma_start3A_237 : memref<1x128x128xf32, #tpu.memory_space<vmem>> -> memref<128x128xf32, #tpu.memory_space<vmem>>
      tpu.enqueue_dma source(%dma_start3A_238 : memref<128x128xf32, #tpu.memory_space<vmem>>) target(%dma_start3A_234 : memref<128x128xf32, #tpu.memory_space<vmem_shared>>) target_semaphore(%run_scoped3A_226 : memref<!tpu.dma_semaphore, #tpu.memory_space<semaphore_mem>>)
      %dma_wait3A_239 = arith.constant 0 : i32
      %dma_wait3A_240 = arith.constant 0 : i32
      %dma_wait3A_241 = tpu.memref_slice %arg11[%run_scoped3A_24, %dma_wait3A_239, %dma_wait3A_240] : memref<2x128x128xf32, #tpu.memory_space<vmem>> -> memref<1x128x128xf32, #tpu.memory_space<vmem>>
      %dma_wait3A_242 = tpu.memref_squeeze %dma_wait3A_241 : memref<1x128x128xf32, #tpu.memory_space<vmem>> -> memref<128x128xf32, #tpu.memory_space<vmem>>
      %dma_wait3A_243 = arith.constant 0 : i32
      %dma_wait3A_244 = tpu.memref_slice %arg7[%add3A_23, %dma_wait3A_243] : memref<10240x128xf32, #tpu.memory_space<vmem_shared>> -> memref<128x128xf32, #tpu.memory_space<vmem_shared>>
      %dma_wait3A_245 = arith.constant 0 : i32
      %dma_wait3A_246 = tpu.memref_slice %arg7[%add3A_23, %dma_wait3A_245] : memref<10240x128xf32, #tpu.memory_space<vmem_shared>> -> memref<128x128xf32, #tpu.memory_space<vmem_shared>>
      %dma_wait3A_247 = arith.constant 0 : i32
      %dma_wait3A_248 = arith.constant 0 : i32
      %dma_wait3A_249 = tpu.memref_slice %arg11[%run_scoped3A_24, %dma_wait3A_247, %dma_wait3A_248] : memref<2x128x128xf32, #tpu.memory_space<vmem>> -> memref<1x128x128xf32, #tpu.memory_space<vmem>>
      %dma_wait3A_250 = tpu.memref_squeeze %dma_wait3A_249 : memref<1x128x128xf32, #tpu.memory_space<vmem>> -> memref<128x128xf32, #tpu.memory_space<vmem>>
      tpu.wait_dma2 semaphore(%run_scoped3A_226 : memref<!tpu.dma_semaphore, #tpu.memory_space<semaphore_mem>>) src(%dma_wait3A_250 : memref<128x128xf32, #tpu.memory_space<vmem>>) dst(%dma_wait3A_246 : memref<128x128xf32, #tpu.memory_space<vmem_shared>>)
      tpu.yield
    }) : () -> ()
    %add3A_25 = arith.constant 256 : i32
    %add3A_26 = arith.addi %mul3A_2, %add3A_25 : i32
    %run_scoped3A_27 = arith.constant 0 : i32
    "tpu.region"() ({
      %run_scoped3A_226 = tpu.sem_alloc : memref<!tpu.dma_semaphore, #tpu.memory_space<semaphore_mem>>
      %dma_start3A_227 = arith.constant 0 : i32
      %dma_start3A_228 = arith.constant 0 : i32
      %dma_start3A_229 = tpu.memref_slice %arg11[%run_scoped3A_27, %dma_start3A_227, %dma_start3A_228] : memref<2x128x128xf32, #tpu.memory_space<vmem>> -> memref<1x128x128xf32, #tpu.memory_space<vmem>>
      %dma_start3A_230 = tpu.memref_squeeze %dma_start3A_229 : memref<1x128x128xf32, #tpu.memory_space<vmem>> -> memref<128x128xf32, #tpu.memory_space<vmem>>
      %dma_start3A_231 = arith.constant 0 : i32
      %dma_start3A_232 = tpu.memref_slice %arg7[%add3A_26, %dma_start3A_231] : memref<10240x128xf32, #tpu.memory_space<vmem_shared>> -> memref<128x128xf32, #tpu.memory_space<vmem_shared>>
      %dma_start3A_233 = arith.constant 0 : i32
      %dma_start3A_234 = tpu.memref_slice %arg7[%add3A_26, %dma_start3A_233] : memref<10240x128xf32, #tpu.memory_space<vmem_shared>> -> memref<128x128xf32, #tpu.memory_space<vmem_shared>>
      %dma_start3A_235 = arith.constant 0 : i32
      %dma_start3A_236 = arith.constant 0 : i32
      %dma_start3A_237 = tpu.memref_slice %arg11[%run_scoped3A_27, %dma_start3A_235, %dma_start3A_236] : memref<2x128x128xf32, #tpu.memory_space<vmem>> -> memref<1x128x128xf32, #tpu.memory_space<vmem>>
      %dma_start3A_238 = tpu.memref_squeeze %dma_start3A_237 : memref<1x128x128xf32, #tpu.memory_space<vmem>> -> memref<128x128xf32, #tpu.memory_space<vmem>>
      tpu.enqueue_dma source(%dma_start3A_238 : memref<128x128xf32, #tpu.memory_space<vmem>>) target(%dma_start3A_234 : memref<128x128xf32, #tpu.memory_space<vmem_shared>>) target_semaphore(%run_scoped3A_226 : memref<!tpu.dma_semaphore, #tpu.memory_space<semaphore_mem>>)
      %dma_wait3A_239 = arith.constant 0 : i32
      %dma_wait3A_240 = arith.constant 0 : i32
      %dma_wait3A_241 = tpu.memref_slice %arg11[%run_scoped3A_27, %dma_wait3A_239, %dma_wait3A_240] : memref<2x128x128xf32, #tpu.memory_space<vmem>> -> memref<1x128x128xf32, #tpu.memory_space<vmem>>
      %dma_wait3A_242 = tpu.memref_squeeze %dma_wait3A_241 : memref<1x128x128xf32, #tpu.memory_space<vmem>> -> memref<128x128xf32, #tpu.memory_space<vmem>>
      %dma_wait3A_243 = arith.constant 0 : i32
      %dma_wait3A_244 = tpu.memref_slice %arg7[%add3A_26, %dma_wait3A_243] : memref<10240x128xf32, #tpu.memory_space<vmem_shared>> -> memref<128x128xf32, #tpu.memory_space<vmem_shared>>
      %dma_wait3A_245 = arith.constant 0 : i32
      %dma_wait3A_246 = tpu.memref_slice %arg7[%add3A_26, %dma_wait3A_245] : memref<10240x128xf32, #tpu.memory_space<vmem_shared>> -> memref<128x128xf32, #tpu.memory_space<vmem_shared>>
      %dma_wait3A_247 = arith.constant 0 : i32
      %dma_wait3A_248 = arith.constant 0 : i32
      %dma_wait3A_249 = tpu.memref_slice %arg11[%run_scoped3A_27, %dma_wait3A_247, %dma_wait3A_248] : memref<2x128x128xf32, #tpu.memory_space<vmem>> -> memref<1x128x128xf32, #tpu.memory_space<vmem>>
      %dma_wait3A_250 = tpu.memref_squeeze %dma_wait3A_249 : memref<1x128x128xf32, #tpu.memory_space<vmem>> -> memref<128x128xf32, #tpu.memory_space<vmem>>
      tpu.wait_dma2 semaphore(%run_scoped3A_226 : memref<!tpu.dma_semaphore, #tpu.memory_space<semaphore_mem>>) src(%dma_wait3A_250 : memref<128x128xf32, #tpu.memory_space<vmem>>) dst(%dma_wait3A_246 : memref<128x128xf32, #tpu.memory_space<vmem_shared>>)
      tpu.yield
    }) : () -> ()
    %add3A_28 = arith.constant 384 : i32
    %add3A_29 = arith.addi %mul3A_2, %add3A_28 : i32
    %run_scoped3A_30 = arith.constant 0 : i32
    "tpu.region"() ({
      %run_scoped3A_226 = tpu.sem_alloc : memref<!tpu.dma_semaphore, #tpu.memory_space<semaphore_mem>>
      %dma_start3A_227 = arith.constant 0 : i32
      %dma_start3A_228 = arith.constant 0 : i32
      %dma_start3A_229 = tpu.memref_slice %arg11[%run_scoped3A_30, %dma_start3A_227, %dma_start3A_228] : memref<2x128x128xf32, #tpu.memory_space<vmem>> -> memref<1x128x128xf32, #tpu.memory_space<vmem>>
      %dma_start3A_230 = tpu.memref_squeeze %dma_start3A_229 : memref<1x128x128xf32, #tpu.memory_space<vmem>> -> memref<128x128xf32, #tpu.memory_space<vmem>>
      %dma_start3A_231 = arith.constant 0 : i32
      %dma_start3A_232 = tpu.memref_slice %arg7[%add3A_29, %dma_start3A_231] : memref<10240x128xf32, #tpu.memory_space<vmem_shared>> -> memref<128x128xf32, #tpu.memory_space<vmem_shared>>
      %dma_start3A_233 = arith.constant 0 : i32
      %dma_start3A_234 = tpu.memref_slice %arg7[%add3A_29, %dma_start3A_233] : memref<10240x128xf32, #tpu.memory_space<vmem_shared>> -> memref<128x128xf32, #tpu.memory_space<vmem_shared>>
      %dma_start3A_235 = arith.constant 0 : i32
      %dma_start3A_236 = arith.constant 0 : i32
      %dma_start3A_237 = tpu.memref_slice %arg11[%run_scoped3A_30, %dma_start3A_235, %dma_start3A_236] : memref<2x128x128xf32, #tpu.memory_space<vmem>> -> memref<1x128x128xf32, #tpu.memory_space<vmem>>
      %dma_start3A_238 = tpu.memref_squeeze %dma_start3A_237 : memref<1x128x128xf32, #tpu.memory_space<vmem>> -> memref<128x128xf32, #tpu.memory_space<vmem>>
      tpu.enqueue_dma source(%dma_start3A_238 : memref<128x128xf32, #tpu.memory_space<vmem>>) target(%dma_start3A_234 : memref<128x128xf32, #tpu.memory_space<vmem_shared>>) target_semaphore(%run_scoped3A_226 : memref<!tpu.dma_semaphore, #tpu.memory_space<semaphore_mem>>)
      %dma_wait3A_239 = arith.constant 0 : i32
      %dma_wait3A_240 = arith.constant 0 : i32
      %dma_wait3A_241 = tpu.memref_slice %arg11[%run_scoped3A_30, %dma_wait3A_239, %dma_wait3A_240] : memref<2x128x128xf32, #tpu.memory_space<vmem>> -> memref<1x128x128xf32, #tpu.memory_space<vmem>>
      %dma_wait3A_242 = tpu.memref_squeeze %dma_wait3A_241 : memref<1x128x128xf32, #tpu.memory_space<vmem>> -> memref<128x128xf32, #tpu.memory_space<vmem>>
      %dma_wait3A_243 = arith.constant 0 : i32
      %dma_wait3A_244 = tpu.memref_slice %arg7[%add3A_29, %dma_wait3A_243] : memref<10240x128xf32, #tpu.memory_space<vmem_shared>> -> memref<128x128xf32, #tpu.memory_space<vmem_shared>>
      %dma_wait3A_245 = arith.constant 0 : i32
      %dma_wait3A_246 = tpu.memref_slice %arg7[%add3A_29, %dma_wait3A_245] : memref<10240x128xf32, #tpu.memory_space<vmem_shared>> -> memref<128x128xf32, #tpu.memory_space<vmem_shared>>
      %dma_wait3A_247 = arith.constant 0 : i32
      %dma_wait3A_248 = arith.constant 0 : i32
      %dma_wait3A_249 = tpu.memref_slice %arg11[%run_scoped3A_30, %dma_wait3A_247, %dma_wait3A_248] : memref<2x128x128xf32, #tpu.memory_space<vmem>> -> memref<1x128x128xf32, #tpu.memory_space<vmem>>
      %dma_wait3A_250 = tpu.memref_squeeze %dma_wait3A_249 : memref<1x128x128xf32, #tpu.memory_space<vmem>> -> memref<128x128xf32, #tpu.memory_space<vmem>>
      tpu.wait_dma2 semaphore(%run_scoped3A_226 : memref<!tpu.dma_semaphore, #tpu.memory_space<semaphore_mem>>) src(%dma_wait3A_250 : memref<128x128xf32, #tpu.memory_space<vmem>>) dst(%dma_wait3A_246 : memref<128x128xf32, #tpu.memory_space<vmem_shared>>)
      tpu.yield
    }) : () -> ()
    %add3A_31 = arith.constant 512 : i32
    %add3A_32 = arith.addi %mul3A_2, %add3A_31 : i32
    %run_scoped3A_33 = arith.constant 0 : i32
    "tpu.region"() ({
      %run_scoped3A_226 = tpu.sem_alloc : memref<!tpu.dma_semaphore, #tpu.memory_space<semaphore_mem>>
      %dma_start3A_227 = arith.constant 0 : i32
      %dma_start3A_228 = arith.constant 0 : i32
      %dma_start3A_229 = tpu.memref_slice %arg11[%run_scoped3A_33, %dma_start3A_227, %dma_start3A_228] : memref<2x128x128xf32, #tpu.memory_space<vmem>> -> memref<1x128x128xf32, #tpu.memory_space<vmem>>
      %dma_start3A_230 = tpu.memref_squeeze %dma_start3A_229 : memref<1x128x128xf32, #tpu.memory_space<vmem>> -> memref<128x128xf32, #tpu.memory_space<vmem>>
      %dma_start3A_231 = arith.constant 0 : i32
      %dma_start3A_232 = tpu.memref_slice %arg7[%add3A_32, %dma_start3A_231] : memref<10240x128xf32, #tpu.memory_space<vmem_shared>> -> memref<128x128xf32, #tpu.memory_space<vmem_shared>>
      %dma_start3A_233 = arith.constant 0 : i32
      %dma_start3A_234 = tpu.memref_slice %arg7[%add3A_32, %dma_start3A_233] : memref<10240x128xf32, #tpu.memory_space<vmem_shared>> -> memref<128x128xf32, #tpu.memory_space<vmem_shared>>
      %dma_start3A_235 = arith.constant 0 : i32
      %dma_start3A_236 = arith.constant 0 : i32
      %dma_start3A_237 = tpu.memref_slice %arg11[%run_scoped3A_33, %dma_start3A_235, %dma_start3A_236] : memref<2x128x128xf32, #tpu.memory_space<vmem>> -> memref<1x128x128xf32, #tpu.memory_space<vmem>>
      %dma_start3A_238 = tpu.memref_squeeze %dma_start3A_237 : memref<1x128x128xf32, #tpu.memory_space<vmem>> -> memref<128x128xf32, #tpu.memory_space<vmem>>
      tpu.enqueue_dma source(%dma_start3A_238 : memref<128x128xf32, #tpu.memory_space<vmem>>) target(%dma_start3A_234 : memref<128x128xf32, #tpu.memory_space<vmem_shared>>) target_semaphore(%run_scoped3A_226 : memref<!tpu.dma_semaphore, #tpu.memory_space<semaphore_mem>>)
      %dma_wait3A_239 = arith.constant 0 : i32
      %dma_wait3A_240 = arith.constant 0 : i32
      %dma_wait3A_241 = tpu.memref_slice %arg11[%run_scoped3A_33, %dma_wait3A_239, %dma_wait3A_240] : memref<2x128x128xf32, #tpu.memory_space<vmem>> -> memref<1x128x128xf32, #tpu.memory_space<vmem>>
      %dma_wait3A_242 = tpu.memref_squeeze %dma_wait3A_241 : memref<1x128x128xf32, #tpu.memory_space<vmem>> -> memref<128x128xf32, #tpu.memory_space<vmem>>
      %dma_wait3A_243 = arith.constant 0 : i32
      %dma_wait3A_244 = tpu.memref_slice %arg7[%add3A_32, %dma_wait3A_243] : memref<10240x128xf32, #tpu.memory_space<vmem_shared>> -> memref<128x128xf32, #tpu.memory_space<vmem_shared>>
      %dma_wait3A_245 = arith.constant 0 : i32
      %dma_wait3A_246 = tpu.memref_slice %arg7[%add3A_32, %dma_wait3A_245] : memref<10240x128xf32, #tpu.memory_space<vmem_shared>> -> memref<128x128xf32, #tpu.memory_space<vmem_shared>>
      %dma_wait3A_247 = arith.constant 0 : i32
      %dma_wait3A_248 = arith.constant 0 : i32
      %dma_wait3A_249 = tpu.memref_slice %arg11[%run_scoped3A_33, %dma_wait3A_247, %dma_wait3A_248] : memref<2x128x128xf32, #tpu.memory_space<vmem>> -> memref<1x128x128xf32, #tpu.memory_space<vmem>>
      %dma_wait3A_250 = tpu.memref_squeeze %dma_wait3A_249 : memref<1x128x128xf32, #tpu.memory_space<vmem>> -> memref<128x128xf32, #tpu.memory_space<vmem>>
      tpu.wait_dma2 semaphore(%run_scoped3A_226 : memref<!tpu.dma_semaphore, #tpu.memory_space<semaphore_mem>>) src(%dma_wait3A_250 : memref<128x128xf32, #tpu.memory_space<vmem>>) dst(%dma_wait3A_246 : memref<128x128xf32, #tpu.memory_space<vmem_shared>>)
      tpu.yield
    }) : () -> ()
    "tpu.region"() ({
      %run_scoped3A_226 = tpu.sem_alloc : memref<!tpu.dma_semaphore, #tpu.memory_space<semaphore_mem>>
      %dma_start3A_227 = tpu.memref_slice %arg8[%mul3A_2] : memref<10240xf32, #tpu.memory_space<vmem_shared>> -> memref<640xf32, #tpu.memory_space<vmem_shared>>
      %dma_start3A_228 = tpu.memref_slice %arg8[%mul3A_2] : memref<10240xf32, #tpu.memory_space<vmem_shared>> -> memref<640xf32, #tpu.memory_space<vmem_shared>>
      tpu.enqueue_dma source(%arg13 : memref<640xf32, #tpu.memory_space<vmem>>) target(%dma_start3A_228 : memref<640xf32, #tpu.memory_space<vmem_shared>>) target_semaphore(%run_scoped3A_226 : memref<!tpu.dma_semaphore, #tpu.memory_space<semaphore_mem>>)
      %dma_wait3A_229 = tpu.memref_slice %arg8[%mul3A_2] : memref<10240xf32, #tpu.memory_space<vmem_shared>> -> memref<640xf32, #tpu.memory_space<vmem_shared>>
      %dma_wait3A_230 = tpu.memref_slice %arg8[%mul3A_2] : memref<10240xf32, #tpu.memory_space<vmem_shared>> -> memref<640xf32, #tpu.memory_space<vmem_shared>>
      tpu.wait_dma2 semaphore(%run_scoped3A_226 : memref<!tpu.dma_semaphore, #tpu.memory_space<semaphore_mem>>) src(%arg13 : memref<640xf32, #tpu.memory_space<vmem>>) dst(%dma_wait3A_230 : memref<640xf32, #tpu.memory_space<vmem_shared>>)
      tpu.yield
    }) : () -> ()
    %barrier3A = arith.constant 0 : index
    tpu.barrier barrier_id(%barrier3A)
    %mul3A_34 = arith.constant 20 : i32
    %mul3A_35 = arith.muli %add3A, %mul3A_34 : i32
    %add3A_36 = arith.constant 0 : i32
    %add3A_37 = arith.addi %mul3A_35, %add3A_36 : i32
    %mul3A_38 = arith.constant 4 : i32
    %mul3A_39 = arith.muli %add3A_37, %mul3A_38 : i32
    %dma_start3A = arith.constant 0 : i32
    %dma_start3A_40 = arith.constant 0 : i32
    %dma_start3A_41 = arith.constant 0 : i32
    %dma_start3A_42 = arith.constant 0 : i32
    %dma_start3A_43 = tpu.memref_slice %arg9[%dma_start3A, %dma_start3A_41, %dma_start3A_42] : memref<2x4x128xi32, #tpu.memory_space<vmem>> -> memref<1x4x128xi32, #tpu.memory_space<vmem>>
    %dma_start3A_44 = tpu.memref_squeeze %dma_start3A_43 : memref<1x4x128xi32, #tpu.memory_space<vmem>> -> memref<4x128xi32, #tpu.memory_space<vmem>>
    %dma_start3A_45 = arith.constant 0 : i32
    %dma_start3A_46 = tpu.memref_slice %arg3[%mul3A_39, %dma_start3A_45] : memref<2560x128xi32, #tpu.memory_space<hbm>> -> memref<4x128xi32, #tpu.memory_space<hbm>>
    %dma_start3A_47 = tpu.memref_slice %arg17[%dma_start3A_40] : memref<2x!tpu.dma_semaphore, #tpu.memory_space<semaphore_mem>> -> memref<1x!tpu.dma_semaphore, #tpu.memory_space<semaphore_mem>>
    %dma_start3A_48 = tpu.memref_squeeze %dma_start3A_47 : memref<1x!tpu.dma_semaphore, #tpu.memory_space<semaphore_mem>> -> memref<!tpu.dma_semaphore, #tpu.memory_space<semaphore_mem>>
    %dma_start3A_49 = arith.constant 0 : i32
    %dma_start3A_50 = arith.constant 0 : i32
    %dma_start3A_51 = tpu.memref_slice %arg9[%dma_start3A, %dma_start3A_49, %dma_start3A_50] : memref<2x4x128xi32, #tpu.memory_space<vmem>> -> memref<1x4x128xi32, #tpu.memory_space<vmem>>
    %dma_start3A_52 = tpu.memref_squeeze %dma_start3A_51 : memref<1x4x128xi32, #tpu.memory_space<vmem>> -> memref<4x128xi32, #tpu.memory_space<vmem>>
    %dma_start3A_53 = arith.constant 0 : i32
    %dma_start3A_54 = tpu.memref_slice %arg3[%mul3A_39, %dma_start3A_53] : memref<2560x128xi32, #tpu.memory_space<hbm>> -> memref<4x128xi32, #tpu.memory_space<hbm>>
    tpu.enqueue_dma source(%dma_start3A_54 : memref<4x128xi32, #tpu.memory_space<hbm>>) target(%dma_start3A_52 : memref<4x128xi32, #tpu.memory_space<vmem>>) target_semaphore(%dma_start3A_48 : memref<!tpu.dma_semaphore, #tpu.memory_space<semaphore_mem>>)
    %mul3A_55 = arith.constant 20 : i32
    %mul3A_56 = arith.muli %add3A, %mul3A_55 : i32
    %add3A_57 = arith.constant 0 : i32
    %add3A_58 = arith.addi %mul3A_56, %add3A_57 : i32
    %mul3A_59 = arith.constant 4 : i32
    %mul3A_60 = arith.muli %add3A_58, %mul3A_59 : i32
    %dma_start3A_61 = arith.constant 0 : i32
    %dma_start3A_62 = arith.constant 1 : i32
    %dma_start3A_63 = arith.constant 0 : i32
    %dma_start3A_64 = arith.constant 0 : i32
    %dma_start3A_65 = tpu.memref_slice %arg10[%dma_start3A_61, %dma_start3A_63, %dma_start3A_64] : memref<2x4x128xi32, #tpu.memory_space<vmem>> -> memref<1x4x128xi32, #tpu.memory_space<vmem>>
    %dma_start3A_66 = tpu.memref_squeeze %dma_start3A_65 : memref<1x4x128xi32, #tpu.memory_space<vmem>> -> memref<4x128xi32, #tpu.memory_space<vmem>>
    %dma_start3A_67 = arith.constant 0 : i32
    %dma_start3A_68 = tpu.memref_slice %arg4[%mul3A_60, %dma_start3A_67] : memref<2560x128xi32, #tpu.memory_space<hbm>> -> memref<4x128xi32, #tpu.memory_space<hbm>>
    %dma_start3A_69 = tpu.memref_slice %arg17[%dma_start3A_62] : memref<2x!tpu.dma_semaphore, #tpu.memory_space<semaphore_mem>> -> memref<1x!tpu.dma_semaphore, #tpu.memory_space<semaphore_mem>>
    %dma_start3A_70 = tpu.memref_squeeze %dma_start3A_69 : memref<1x!tpu.dma_semaphore, #tpu.memory_space<semaphore_mem>> -> memref<!tpu.dma_semaphore, #tpu.memory_space<semaphore_mem>>
    %dma_start3A_71 = arith.constant 0 : i32
    %dma_start3A_72 = arith.constant 0 : i32
    %dma_start3A_73 = tpu.memref_slice %arg10[%dma_start3A_61, %dma_start3A_71, %dma_start3A_72] : memref<2x4x128xi32, #tpu.memory_space<vmem>> -> memref<1x4x128xi32, #tpu.memory_space<vmem>>
    %dma_start3A_74 = tpu.memref_squeeze %dma_start3A_73 : memref<1x4x128xi32, #tpu.memory_space<vmem>> -> memref<4x128xi32, #tpu.memory_space<vmem>>
    %dma_start3A_75 = arith.constant 0 : i32
    %dma_start3A_76 = tpu.memref_slice %arg4[%mul3A_60, %dma_start3A_75] : memref<2560x128xi32, #tpu.memory_space<hbm>> -> memref<4x128xi32, #tpu.memory_space<hbm>>
    tpu.enqueue_dma source(%dma_start3A_76 : memref<4x128xi32, #tpu.memory_space<hbm>>) target(%dma_start3A_74 : memref<4x128xi32, #tpu.memory_space<vmem>>) target_semaphore(%dma_start3A_70 : memref<!tpu.dma_semaphore, #tpu.memory_space<semaphore_mem>>)
    %mul3A_77 = arith.constant 20 : i32
    %mul3A_78 = arith.muli %add3A, %mul3A_77 : i32
    %add3A_79 = arith.constant 0 : i32
    %add3A_80 = arith.addi %mul3A_78, %add3A_79 : i32
    %mul3A_81 = arith.constant 4 : i32
    %mul3A_82 = arith.muli %add3A_80, %mul3A_81 : i32
    %dma_wait3A = arith.constant 0 : i32
    %dma_wait3A_83 = arith.constant 0 : i32
    %dma_wait3A_84 = arith.constant 0 : i32
    %dma_wait3A_85 = arith.constant 0 : i32
    %dma_wait3A_86 = tpu.memref_slice %arg9[%dma_wait3A, %dma_wait3A_84, %dma_wait3A_85] : memref<2x4x128xi32, #tpu.memory_space<vmem>> -> memref<1x4x128xi32, #tpu.memory_space<vmem>>
    %dma_wait3A_87 = tpu.memref_squeeze %dma_wait3A_86 : memref<1x4x128xi32, #tpu.memory_space<vmem>> -> memref<4x128xi32, #tpu.memory_space<vmem>>
    %dma_wait3A_88 = arith.constant 0 : i32
    %dma_wait3A_89 = tpu.memref_slice %arg3[%mul3A_82, %dma_wait3A_88] : memref<2560x128xi32, #tpu.memory_space<hbm>> -> memref<4x128xi32, #tpu.memory_space<hbm>>
    %dma_wait3A_90 = tpu.memref_slice %arg17[%dma_wait3A_83] : memref<2x!tpu.dma_semaphore, #tpu.memory_space<semaphore_mem>> -> memref<1x!tpu.dma_semaphore, #tpu.memory_space<semaphore_mem>>
    %dma_wait3A_91 = tpu.memref_squeeze %dma_wait3A_90 : memref<1x!tpu.dma_semaphore, #tpu.memory_space<semaphore_mem>> -> memref<!tpu.dma_semaphore, #tpu.memory_space<semaphore_mem>>
    %dma_wait3A_92 = arith.constant 0 : i32
    %dma_wait3A_93 = arith.constant 0 : i32
    %dma_wait3A_94 = tpu.memref_slice %arg9[%dma_wait3A, %dma_wait3A_92, %dma_wait3A_93] : memref<2x4x128xi32, #tpu.memory_space<vmem>> -> memref<1x4x128xi32, #tpu.memory_space<vmem>>
    %dma_wait3A_95 = tpu.memref_squeeze %dma_wait3A_94 : memref<1x4x128xi32, #tpu.memory_space<vmem>> -> memref<4x128xi32, #tpu.memory_space<vmem>>
    %dma_wait3A_96 = arith.constant 0 : i32
    %dma_wait3A_97 = tpu.memref_slice %arg3[%mul3A_82, %dma_wait3A_96] : memref<2560x128xi32, #tpu.memory_space<hbm>> -> memref<4x128xi32, #tpu.memory_space<hbm>>
    tpu.wait_dma2 semaphore(%dma_wait3A_91 : memref<!tpu.dma_semaphore, #tpu.memory_space<semaphore_mem>>) src(%dma_wait3A_97 : memref<4x128xi32, #tpu.memory_space<hbm>>) dst(%dma_wait3A_95 : memref<4x128xi32, #tpu.memory_space<vmem>>)
    %mul3A_98 = arith.constant 20 : i32
    %mul3A_99 = arith.muli %add3A, %mul3A_98 : i32
    %add3A_100 = arith.constant 0 : i32
    %add3A_101 = arith.addi %mul3A_99, %add3A_100 : i32
    %mul3A_102 = arith.constant 4 : i32
    %mul3A_103 = arith.muli %add3A_101, %mul3A_102 : i32
    %dma_wait3A_104 = arith.constant 0 : i32
    %dma_wait3A_105 = arith.constant 1 : i32
    %dma_wait3A_106 = arith.constant 0 : i32
    %dma_wait3A_107 = arith.constant 0 : i32
    %dma_wait3A_108 = tpu.memref_slice %arg10[%dma_wait3A_104, %dma_wait3A_106, %dma_wait3A_107] : memref<2x4x128xi32, #tpu.memory_space<vmem>> -> memref<1x4x128xi32, #tpu.memory_space<vmem>>
    %dma_wait3A_109 = tpu.memref_squeeze %dma_wait3A_108 : memref<1x4x128xi32, #tpu.memory_space<vmem>> -> memref<4x128xi32, #tpu.memory_space<vmem>>
    %dma_wait3A_110 = arith.constant 0 : i32
    %dma_wait3A_111 = tpu.memref_slice %arg4[%mul3A_103, %dma_wait3A_110] : memref<2560x128xi32, #tpu.memory_space<hbm>> -> memref<4x128xi32, #tpu.memory_space<hbm>>
    %dma_wait3A_112 = tpu.memref_slice %arg17[%dma_wait3A_105] : memref<2x!tpu.dma_semaphore, #tpu.memory_space<semaphore_mem>> -> memref<1x!tpu.dma_semaphore, #tpu.memory_space<semaphore_mem>>
    %dma_wait3A_113 = tpu.memref_squeeze %dma_wait3A_112 : memref<1x!tpu.dma_semaphore, #tpu.memory_space<semaphore_mem>> -> memref<!tpu.dma_semaphore, #tpu.memory_space<semaphore_mem>>
    %dma_wait3A_114 = arith.constant 0 : i32
    %dma_wait3A_115 = arith.constant 0 : i32
    %dma_wait3A_116 = tpu.memref_slice %arg10[%dma_wait3A_104, %dma_wait3A_114, %dma_wait3A_115] : memref<2x4x128xi32, #tpu.memory_space<vmem>> -> memref<1x4x128xi32, #tpu.memory_space<vmem>>
    %dma_wait3A_117 = tpu.memref_squeeze %dma_wait3A_116 : memref<1x4x128xi32, #tpu.memory_space<vmem>> -> memref<4x128xi32, #tpu.memory_space<vmem>>
    %dma_wait3A_118 = arith.constant 0 : i32
    %dma_wait3A_119 = tpu.memref_slice %arg4[%mul3A_103, %dma_wait3A_118] : memref<2560x128xi32, #tpu.memory_space<hbm>> -> memref<4x128xi32, #tpu.memory_space<hbm>>
    tpu.wait_dma2 semaphore(%dma_wait3A_113 : memref<!tpu.dma_semaphore, #tpu.memory_space<semaphore_mem>>) src(%dma_wait3A_119 : memref<4x128xi32, #tpu.memory_space<hbm>>) dst(%dma_wait3A_117 : memref<4x128xi32, #tpu.memory_space<vmem>>)
    %mul3A_120 = arith.constant 20 : i32
    %mul3A_121 = arith.muli %add3A, %mul3A_120 : i32
    %add3A_122 = arith.constant 1 : i32
    %add3A_123 = arith.addi %mul3A_121, %add3A_122 : i32
    %mul3A_124 = arith.constant 4 : i32
    %mul3A_125 = arith.muli %add3A_123, %mul3A_124 : i32
    %dma_start3A_126 = arith.constant 1 : i32
    %dma_start3A_127 = arith.constant 0 : i32
    %dma_start3A_128 = arith.constant 0 : i32
    %dma_start3A_129 = arith.constant 0 : i32
    %dma_start3A_130 = tpu.memref_slice %arg9[%dma_start3A_126, %dma_start3A_128, %dma_start3A_129] : memref<2x4x128xi32, #tpu.memory_space<vmem>> -> memref<1x4x128xi32, #tpu.memory_space<vmem>>
    %dma_start3A_131 = tpu.memref_squeeze %dma_start3A_130 : memref<1x4x128xi32, #tpu.memory_space<vmem>> -> memref<4x128xi32, #tpu.memory_space<vmem>>
    %dma_start3A_132 = arith.constant 0 : i32
    %dma_start3A_133 = tpu.memref_slice %arg3[%mul3A_125, %dma_start3A_132] : memref<2560x128xi32, #tpu.memory_space<hbm>> -> memref<4x128xi32, #tpu.memory_space<hbm>>
    %dma_start3A_134 = tpu.memref_slice %arg17[%dma_start3A_127] : memref<2x!tpu.dma_semaphore, #tpu.memory_space<semaphore_mem>> -> memref<1x!tpu.dma_semaphore, #tpu.memory_space<semaphore_mem>>
    %dma_start3A_135 = tpu.memref_squeeze %dma_start3A_134 : memref<1x!tpu.dma_semaphore, #tpu.memory_space<semaphore_mem>> -> memref<!tpu.dma_semaphore, #tpu.memory_space<semaphore_mem>>
    %dma_start3A_136 = arith.constant 0 : i32
    %dma_start3A_137 = arith.constant 0 : i32
    %dma_start3A_138 = tpu.memref_slice %arg9[%dma_start3A_126, %dma_start3A_136, %dma_start3A_137] : memref<2x4x128xi32, #tpu.memory_space<vmem>> -> memref<1x4x128xi32, #tpu.memory_space<vmem>>
    %dma_start3A_139 = tpu.memref_squeeze %dma_start3A_138 : memref<1x4x128xi32, #tpu.memory_space<vmem>> -> memref<4x128xi32, #tpu.memory_space<vmem>>
    %dma_start3A_140 = arith.constant 0 : i32
    %dma_start3A_141 = tpu.memref_slice %arg3[%mul3A_125, %dma_start3A_140] : memref<2560x128xi32, #tpu.memory_space<hbm>> -> memref<4x128xi32, #tpu.memory_space<hbm>>
    tpu.enqueue_dma source(%dma_start3A_141 : memref<4x128xi32, #tpu.memory_space<hbm>>) target(%dma_start3A_139 : memref<4x128xi32, #tpu.memory_space<vmem>>) target_semaphore(%dma_start3A_135 : memref<!tpu.dma_semaphore, #tpu.memory_space<semaphore_mem>>)
    %mul3A_142 = arith.constant 20 : i32
    %mul3A_143 = arith.muli %add3A, %mul3A_142 : i32
    %add3A_144 = arith.constant 1 : i32
    %add3A_145 = arith.addi %mul3A_143, %add3A_144 : i32
    %mul3A_146 = arith.constant 4 : i32
    %mul3A_147 = arith.muli %add3A_145, %mul3A_146 : i32
    %dma_start3A_148 = arith.constant 1 : i32
    %dma_start3A_149 = arith.constant 1 : i32
    %dma_start3A_150 = arith.constant 0 : i32
    %dma_start3A_151 = arith.constant 0 : i32
    %dma_start3A_152 = tpu.memref_slice %arg10[%dma_start3A_148, %dma_start3A_150, %dma_start3A_151] : memref<2x4x128xi32, #tpu.memory_space<vmem>> -> memref<1x4x128xi32, #tpu.memory_space<vmem>>
    %dma_start3A_153 = tpu.memref_squeeze %dma_start3A_152 : memref<1x4x128xi32, #tpu.memory_space<vmem>> -> memref<4x128xi32, #tpu.memory_space<vmem>>
    %dma_start3A_154 = arith.constant 0 : i32
    %dma_start3A_155 = tpu.memref_slice %arg4[%mul3A_147, %dma_start3A_154] : memref<2560x128xi32, #tpu.memory_space<hbm>> -> memref<4x128xi32, #tpu.memory_space<hbm>>
    %dma_start3A_156 = tpu.memref_slice %arg17[%dma_start3A_149] : memref<2x!tpu.dma_semaphore, #tpu.memory_space<semaphore_mem>> -> memref<1x!tpu.dma_semaphore, #tpu.memory_space<semaphore_mem>>
    %dma_start3A_157 = tpu.memref_squeeze %dma_start3A_156 : memref<1x!tpu.dma_semaphore, #tpu.memory_space<semaphore_mem>> -> memref<!tpu.dma_semaphore, #tpu.memory_space<semaphore_mem>>
    %dma_start3A_158 = arith.constant 0 : i32
    %dma_start3A_159 = arith.constant 0 : i32
    %dma_start3A_160 = tpu.memref_slice %arg10[%dma_start3A_148, %dma_start3A_158, %dma_start3A_159] : memref<2x4x128xi32, #tpu.memory_space<vmem>> -> memref<1x4x128xi32, #tpu.memory_space<vmem>>
    %dma_start3A_161 = tpu.memref_squeeze %dma_start3A_160 : memref<1x4x128xi32, #tpu.memory_space<vmem>> -> memref<4x128xi32, #tpu.memory_space<vmem>>
    %dma_start3A_162 = arith.constant 0 : i32
    %dma_start3A_163 = tpu.memref_slice %arg4[%mul3A_147, %dma_start3A_162] : memref<2560x128xi32, #tpu.memory_space<hbm>> -> memref<4x128xi32, #tpu.memory_space<hbm>>
    tpu.enqueue_dma source(%dma_start3A_163 : memref<4x128xi32, #tpu.memory_space<hbm>>) target(%dma_start3A_161 : memref<4x128xi32, #tpu.memory_space<vmem>>) target_semaphore(%dma_start3A_157 : memref<!tpu.dma_semaphore, #tpu.memory_space<semaphore_mem>>)
    %dma_start3A_164 = arith.constant 0 : i32
    %dma_start3A_165 = arith.constant 0 : i32
    %dma_start3A_166 = arith.constant 0 : i32
    %dma_start3A_167 = arith.constant 0 : i32
    %dma_start3A_168 = arith.constant 0 : i32
    %dma_start3A_169 = arith.constant 0 : i32
    %dma_start3A_170 = tpu.memref_slice %arg11[%dma_start3A_166, %dma_start3A_168, %dma_start3A_169] : memref<2x128x128xf32, #tpu.memory_space<vmem>> -> memref<1x128x128xf32, #tpu.memory_space<vmem>>
    %dma_start3A_171 = tpu.memref_squeeze %dma_start3A_170 : memref<1x128x128xf32, #tpu.memory_space<vmem>> -> memref<128x128xf32, #tpu.memory_space<vmem>>
    %dma_start3A_172 = arith.constant 0 : i32
    %dma_start3A_173 = tpu.memref_slice %arg9[%dma_start3A_164, %dma_start3A_165, %dma_start3A_172] : memref<2x4x128xi32, #tpu.memory_space<vmem>> -> memref<1x1x128xi32, #tpu.memory_space<vmem>>
    %dma_start3A_174 = tpu.memref_squeeze %dma_start3A_173 : memref<1x1x128xi32, #tpu.memory_space<vmem>> -> memref<128xi32, #tpu.memory_space<vmem>>
    %dma_start3A_175 = arith.constant 0 : i32
    %dma_start3A_176 = arith.constant 0 : i32
    %dma_start3A_177 = tpu.memref_slice %arg2[%dma_start3A_175, %dma_start3A_176] : memref<10000x128xf32, #tpu.memory_space<hbm>> -> memref<10000x128xf32, #tpu.memory_space<hbm>>
    %dma_start3A_178 = tpu.memref_slice %arg14[%dma_start3A_167] : memref<2x!tpu.dma_semaphore, #tpu.memory_space<semaphore_mem>> -> memref<1x!tpu.dma_semaphore, #tpu.memory_space<semaphore_mem>>
    %dma_start3A_179 = tpu.memref_squeeze %dma_start3A_178 : memref<1x!tpu.dma_semaphore, #tpu.memory_space<semaphore_mem>> -> memref<!tpu.dma_semaphore, #tpu.memory_space<semaphore_mem>>
    tpu.enqueue_indirect_dma source(%dma_start3A_177 : memref<10000x128xf32, #tpu.memory_space<hbm>>) target(%dma_start3A_171 : memref<128x128xf32, #tpu.memory_space<vmem>>) offsets(%dma_start3A_174 : memref<128xi32, #tpu.memory_space<vmem>>) semaphore(%dma_start3A_179 : memref<!tpu.dma_semaphore, #tpu.memory_space<semaphore_mem>>)
    %dma_start3A_180 = arith.constant 0 : i32
    %dma_start3A_181 = arith.constant 1 : i32
    %dma_start3A_182 = arith.constant 1 : i32
    %dma_start3A_183 = arith.constant 1 : i32
    %dma_start3A_184 = arith.constant 0 : i32
    %dma_start3A_185 = arith.constant 0 : i32
    %dma_start3A_186 = tpu.memref_slice %arg11[%dma_start3A_182, %dma_start3A_184, %dma_start3A_185] : memref<2x128x128xf32, #tpu.memory_space<vmem>> -> memref<1x128x128xf32, #tpu.memory_space<vmem>>
    %dma_start3A_187 = tpu.memref_squeeze %dma_start3A_186 : memref<1x128x128xf32, #tpu.memory_space<vmem>> -> memref<128x128xf32, #tpu.memory_space<vmem>>
    %dma_start3A_188 = arith.constant 0 : i32
    %dma_start3A_189 = tpu.memref_slice %arg9[%dma_start3A_180, %dma_start3A_181, %dma_start3A_188] : memref<2x4x128xi32, #tpu.memory_space<vmem>> -> memref<1x1x128xi32, #tpu.memory_space<vmem>>
    %dma_start3A_190 = tpu.memref_squeeze %dma_start3A_189 : memref<1x1x128xi32, #tpu.memory_space<vmem>> -> memref<128xi32, #tpu.memory_space<vmem>>
    %dma_start3A_191 = arith.constant 0 : i32
    %dma_start3A_192 = arith.constant 0 : i32
    %dma_start3A_193 = tpu.memref_slice %arg2[%dma_start3A_191, %dma_start3A_192] : memref<10000x128xf32, #tpu.memory_space<hbm>> -> memref<10000x128xf32, #tpu.memory_space<hbm>>
    %dma_start3A_194 = tpu.memref_slice %arg14[%dma_start3A_183] : memref<2x!tpu.dma_semaphore, #tpu.memory_space<semaphore_mem>> -> memref<1x!tpu.dma_semaphore, #tpu.memory_space<semaphore_mem>>
    %dma_start3A_195 = tpu.memref_squeeze %dma_start3A_194 : memref<1x!tpu.dma_semaphore, #tpu.memory_space<semaphore_mem>> -> memref<!tpu.dma_semaphore, #tpu.memory_space<semaphore_mem>>
    tpu.enqueue_indirect_dma source(%dma_start3A_193 : memref<10000x128xf32, #tpu.memory_space<hbm>>) target(%dma_start3A_187 : memref<128x128xf32, #tpu.memory_space<vmem>>) offsets(%dma_start3A_190 : memref<128xi32, #tpu.memory_space<vmem>>) semaphore(%dma_start3A_195 : memref<!tpu.dma_semaphore, #tpu.memory_space<semaphore_mem>>)
    %scan3A_196 = arith.constant 0 : i32
    %scan3A_197 = arith.constant 0 : i32
    %scan3A_198 = arith.constant 20 : i32
    %scan3A_199 = arith.addi %scan3A_197, %scan3A_198 : i32
    %scan3A_200 = arith.constant 1 : i32
    scf.for %scan3A_226 = %scan3A_197 to %scan3A_199 step %scan3A_200  : i32 {
      %rem3A = arith.constant 2 : i32
      %rem3A_227 = arith.remsi %scan3A_226, %rem3A : i32
      %add3A_228 = arith.constant 1 : i32
      %add3A_229 = arith.addi %scan3A_226, %add3A_228 : i32
      %lt3A = arith.constant 20 : i32
      %lt3A_230 = arith.cmpi slt, %add3A_229, %lt3A : i32
      %convert_element_type3A = arith.extui %lt3A_230 : i1 to i32
      %cond3A = arith.constant 0 : i32
      %cond3A_231 = arith.cmpi ne, %convert_element_type3A, %cond3A : i32
      scf.if %cond3A_231 {
        %add3A_535 = arith.constant 1 : i32
        %add3A_536 = arith.addi %scan3A_226, %add3A_535 : i32
        %sub3A = arith.constant 1 : i32
        %sub3A_537 = arith.subi %sub3A, %rem3A_227 : i32
        %mul3A_538 = arith.constant 20 : i32
        %mul3A_539 = arith.muli %add3A, %mul3A_538 : i32
        %add3A_540 = arith.addi %mul3A_539, %add3A_536 : i32
        %mul3A_541 = arith.constant 4 : i32
        %mul3A_542 = arith.muli %add3A_540, %mul3A_541 : i32
        %dma_wait3A_543 = arith.constant 0 : i32
        %dma_wait3A_544 = arith.constant 0 : i32
        %dma_wait3A_545 = arith.constant 0 : i32
        %dma_wait3A_546 = tpu.memref_slice %arg9[%sub3A_537, %dma_wait3A_544, %dma_wait3A_545] : memref<2x4x128xi32, #tpu.memory_space<vmem>> -> memref<1x4x128xi32, #tpu.memory_space<vmem>>
        %dma_wait3A_547 = tpu.memref_squeeze %dma_wait3A_546 : memref<1x4x128xi32, #tpu.memory_space<vmem>> -> memref<4x128xi32, #tpu.memory_space<vmem>>
        %dma_wait3A_548 = arith.constant 0 : i32
        %dma_wait3A_549 = tpu.memref_slice %arg3[%mul3A_542, %dma_wait3A_548] : memref<2560x128xi32, #tpu.memory_space<hbm>> -> memref<4x128xi32, #tpu.memory_space<hbm>>
        %dma_wait3A_550 = tpu.memref_slice %arg17[%dma_wait3A_543] : memref<2x!tpu.dma_semaphore, #tpu.memory_space<semaphore_mem>> -> memref<1x!tpu.dma_semaphore, #tpu.memory_space<semaphore_mem>>
        %dma_wait3A_551 = tpu.memref_squeeze %dma_wait3A_550 : memref<1x!tpu.dma_semaphore, #tpu.memory_space<semaphore_mem>> -> memref<!tpu.dma_semaphore, #tpu.memory_space<semaphore_mem>>
        %dma_wait3A_552 = arith.constant 0 : i32
        %dma_wait3A_553 = arith.constant 0 : i32
        %dma_wait3A_554 = tpu.memref_slice %arg9[%sub3A_537, %dma_wait3A_552, %dma_wait3A_553] : memref<2x4x128xi32, #tpu.memory_space<vmem>> -> memref<1x4x128xi32, #tpu.memory_space<vmem>>
        %dma_wait3A_555 = tpu.memref_squeeze %dma_wait3A_554 : memref<1x4x128xi32, #tpu.memory_space<vmem>> -> memref<4x128xi32, #tpu.memory_space<vmem>>
        %dma_wait3A_556 = arith.constant 0 : i32
        %dma_wait3A_557 = tpu.memref_slice %arg3[%mul3A_542, %dma_wait3A_556] : memref<2560x128xi32, #tpu.memory_space<hbm>> -> memref<4x128xi32, #tpu.memory_space<hbm>>
        tpu.wait_dma2 semaphore(%dma_wait3A_551 : memref<!tpu.dma_semaphore, #tpu.memory_space<semaphore_mem>>) src(%dma_wait3A_557 : memref<4x128xi32, #tpu.memory_space<hbm>>) dst(%dma_wait3A_555 : memref<4x128xi32, #tpu.memory_space<vmem>>)
        %mul3A_558 = arith.constant 20 : i32
        %mul3A_559 = arith.muli %add3A, %mul3A_558 : i32
        %add3A_560 = arith.addi %mul3A_559, %add3A_536 : i32
        %mul3A_561 = arith.constant 4 : i32
        %mul3A_562 = arith.muli %add3A_560, %mul3A_561 : i32
        %dma_wait3A_563 = arith.constant 1 : i32
        %dma_wait3A_564 = arith.constant 0 : i32
        %dma_wait3A_565 = arith.constant 0 : i32
        %dma_wait3A_566 = tpu.memref_slice %arg10[%sub3A_537, %dma_wait3A_564, %dma_wait3A_565] : memref<2x4x128xi32, #tpu.memory_space<vmem>> -> memref<1x4x128xi32, #tpu.memory_space<vmem>>
        %dma_wait3A_567 = tpu.memref_squeeze %dma_wait3A_566 : memref<1x4x128xi32, #tpu.memory_space<vmem>> -> memref<4x128xi32, #tpu.memory_space<vmem>>
        %dma_wait3A_568 = arith.constant 0 : i32
        %dma_wait3A_569 = tpu.memref_slice %arg4[%mul3A_562, %dma_wait3A_568] : memref<2560x128xi32, #tpu.memory_space<hbm>> -> memref<4x128xi32, #tpu.memory_space<hbm>>
        %dma_wait3A_570 = tpu.memref_slice %arg17[%dma_wait3A_563] : memref<2x!tpu.dma_semaphore, #tpu.memory_space<semaphore_mem>> -> memref<1x!tpu.dma_semaphore, #tpu.memory_space<semaphore_mem>>
        %dma_wait3A_571 = tpu.memref_squeeze %dma_wait3A_570 : memref<1x!tpu.dma_semaphore, #tpu.memory_space<semaphore_mem>> -> memref<!tpu.dma_semaphore, #tpu.memory_space<semaphore_mem>>
        %dma_wait3A_572 = arith.constant 0 : i32
        %dma_wait3A_573 = arith.constant 0 : i32
        %dma_wait3A_574 = tpu.memref_slice %arg10[%sub3A_537, %dma_wait3A_572, %dma_wait3A_573] : memref<2x4x128xi32, #tpu.memory_space<vmem>> -> memref<1x4x128xi32, #tpu.memory_space<vmem>>
        %dma_wait3A_575 = tpu.memref_squeeze %dma_wait3A_574 : memref<1x4x128xi32, #tpu.memory_space<vmem>> -> memref<4x128xi32, #tpu.memory_space<vmem>>
        %dma_wait3A_576 = arith.constant 0 : i32
        %dma_wait3A_577 = tpu.memref_slice %arg4[%mul3A_562, %dma_wait3A_576] : memref<2560x128xi32, #tpu.memory_space<hbm>> -> memref<4x128xi32, #tpu.memory_space<hbm>>
        tpu.wait_dma2 semaphore(%dma_wait3A_571 : memref<!tpu.dma_semaphore, #tpu.memory_space<semaphore_mem>>) src(%dma_wait3A_577 : memref<4x128xi32, #tpu.memory_space<hbm>>) dst(%dma_wait3A_575 : memref<4x128xi32, #tpu.memory_space<vmem>>)
      } else {
      }
      %dma_wait3A_232 = arith.constant 0 : i32
      %dma_wait3A_233 = arith.constant 0 : i32
      %dma_wait3A_234 = arith.constant 0 : i32
      %dma_wait3A_235 = arith.constant 0 : i32
      %dma_wait3A_236 = arith.constant 0 : i32
      %dma_wait3A_237 = tpu.memref_slice %arg11[%dma_wait3A_233, %dma_wait3A_235, %dma_wait3A_236] : memref<2x128x128xf32, #tpu.memory_space<vmem>> -> memref<1x128x128xf32, #tpu.memory_space<vmem>>
      %dma_wait3A_238 = tpu.memref_squeeze %dma_wait3A_237 : memref<1x128x128xf32, #tpu.memory_space<vmem>> -> memref<128x128xf32, #tpu.memory_space<vmem>>
      %dma_wait3A_239 = arith.constant 0 : i32
      %dma_wait3A_240 = tpu.memref_slice %arg9[%rem3A_227, %dma_wait3A_232, %dma_wait3A_239] : memref<2x4x128xi32, #tpu.memory_space<vmem>> -> memref<1x1x128xi32, #tpu.memory_space<vmem>>
      %dma_wait3A_241 = tpu.memref_squeeze %dma_wait3A_240 : memref<1x1x128xi32, #tpu.memory_space<vmem>> -> memref<128xi32, #tpu.memory_space<vmem>>
      %dma_wait3A_242 = arith.constant 0 : i32
      %dma_wait3A_243 = arith.constant 0 : i32
      %dma_wait3A_244 = tpu.memref_slice %arg2[%dma_wait3A_242, %dma_wait3A_243] : memref<10000x128xf32, #tpu.memory_space<hbm>> -> memref<10000x128xf32, #tpu.memory_space<hbm>>
      %dma_wait3A_245 = tpu.memref_slice %arg14[%dma_wait3A_234] : memref<2x!tpu.dma_semaphore, #tpu.memory_space<semaphore_mem>> -> memref<1x!tpu.dma_semaphore, #tpu.memory_space<semaphore_mem>>
      %dma_wait3A_246 = tpu.memref_squeeze %dma_wait3A_245 : memref<1x!tpu.dma_semaphore, #tpu.memory_space<semaphore_mem>> -> memref<!tpu.dma_semaphore, #tpu.memory_space<semaphore_mem>>
      tpu.wait_indirect_dma semaphore(%dma_wait3A_246 : memref<!tpu.dma_semaphore, #tpu.memory_space<semaphore_mem>>) src(%dma_wait3A_244 : memref<10000x128xf32, #tpu.memory_space<hbm>>) dst(%dma_wait3A_238 : memref<128x128xf32, #tpu.memory_space<vmem>>)
      %dma_start3A_247 = arith.constant 0 : i32
      %dma_start3A_248 = arith.constant 0 : i32
      %dma_start3A_249 = arith.constant 0 : i32
      %dma_start3A_250 = arith.constant 0 : i32
      %dma_start3A_251 = arith.constant 0 : i32
      %dma_start3A_252 = tpu.memref_slice %arg11[%dma_start3A_247, %dma_start3A_250, %dma_start3A_251] : memref<2x128x128xf32, #tpu.memory_space<vmem>> -> memref<1x128x128xf32, #tpu.memory_space<vmem>>
      %dma_start3A_253 = tpu.memref_squeeze %dma_start3A_252 : memref<1x128x128xf32, #tpu.memory_space<vmem>> -> memref<128x128xf32, #tpu.memory_space<vmem>>
      %dma_start3A_254 = arith.constant 0 : i32
      %dma_start3A_255 = tpu.memref_slice %arg10[%rem3A_227, %dma_start3A_248, %dma_start3A_254] : memref<2x4x128xi32, #tpu.memory_space<vmem>> -> memref<1x1x128xi32, #tpu.memory_space<vmem>>
      %dma_start3A_256 = tpu.memref_squeeze %dma_start3A_255 : memref<1x1x128xi32, #tpu.memory_space<vmem>> -> memref<128xi32, #tpu.memory_space<vmem>>
      %dma_start3A_257 = arith.constant 0 : i32
      %dma_start3A_258 = arith.constant 0 : i32
      %dma_start3A_259 = tpu.memref_slice %arg7[%dma_start3A_257, %dma_start3A_258] : memref<10240x128xf32, #tpu.memory_space<vmem_shared>> -> memref<10240x128xf32, #tpu.memory_space<vmem_shared>>
      %dma_start3A_260 = tpu.memref_slice %arg15[%dma_start3A_249] : memref<2x!tpu.dma_semaphore, #tpu.memory_space<semaphore_mem>> -> memref<1x!tpu.dma_semaphore, #tpu.memory_space<semaphore_mem>>
      %dma_start3A_261 = tpu.memref_squeeze %dma_start3A_260 : memref<1x!tpu.dma_semaphore, #tpu.memory_space<semaphore_mem>> -> memref<!tpu.dma_semaphore, #tpu.memory_space<semaphore_mem>>
      tpu.enqueue_indirect_dma source(%dma_start3A_253 : memref<128x128xf32, #tpu.memory_space<vmem>>) target(%dma_start3A_259 : memref<10240x128xf32, #tpu.memory_space<vmem_shared>>) offsets(%dma_start3A_256 : memref<128xi32, #tpu.memory_space<vmem>>) semaphore(%dma_start3A_261 : memref<!tpu.dma_semaphore, #tpu.memory_space<semaphore_mem>>) {add = true}
      %dma_start3A_262 = arith.constant 0 : i32
      %dma_start3A_263 = arith.constant 0 : i32
      %dma_start3A_264 = arith.constant 0 : i32
      %dma_start3A_265 = tpu.memref_slice %arg10[%rem3A_227, %dma_start3A_262, %dma_start3A_264] : memref<2x4x128xi32, #tpu.memory_space<vmem>> -> memref<1x1x128xi32, #tpu.memory_space<vmem>>
      %dma_start3A_266 = tpu.memref_squeeze %dma_start3A_265 : memref<1x1x128xi32, #tpu.memory_space<vmem>> -> memref<128xi32, #tpu.memory_space<vmem>>
      %dma_start3A_267 = arith.constant 0 : i32
      %dma_start3A_268 = tpu.memref_slice %arg8[%dma_start3A_267] : memref<10240xf32, #tpu.memory_space<vmem_shared>> -> memref<10240xf32, #tpu.memory_space<vmem_shared>>
      %dma_start3A_269 = tpu.memref_slice %arg16[%dma_start3A_263] : memref<2x!tpu.dma_semaphore, #tpu.memory_space<semaphore_mem>> -> memref<1x!tpu.dma_semaphore, #tpu.memory_space<semaphore_mem>>
      %dma_start3A_270 = tpu.memref_squeeze %dma_start3A_269 : memref<1x!tpu.dma_semaphore, #tpu.memory_space<semaphore_mem>> -> memref<!tpu.dma_semaphore, #tpu.memory_space<semaphore_mem>>
      tpu.enqueue_indirect_dma source(%arg12 : memref<128xf32, #tpu.memory_space<vmem>>) target(%dma_start3A_268 : memref<10240xf32, #tpu.memory_space<vmem_shared>>) offsets(%dma_start3A_266 : memref<128xi32, #tpu.memory_space<vmem>>) semaphore(%dma_start3A_270 : memref<!tpu.dma_semaphore, #tpu.memory_space<semaphore_mem>>) {add = true}
      %dma_wait3A_271 = arith.constant 0 : i32
      %dma_wait3A_272 = arith.constant 0 : i32
      %dma_wait3A_273 = arith.constant 0 : i32
      %dma_wait3A_274 = arith.constant 0 : i32
      %dma_wait3A_275 = arith.constant 0 : i32
      %dma_wait3A_276 = tpu.memref_slice %arg11[%dma_wait3A_271, %dma_wait3A_274, %dma_wait3A_275] : memref<2x128x128xf32, #tpu.memory_space<vmem>> -> memref<1x128x128xf32, #tpu.memory_space<vmem>>
      %dma_wait3A_277 = tpu.memref_squeeze %dma_wait3A_276 : memref<1x128x128xf32, #tpu.memory_space<vmem>> -> memref<128x128xf32, #tpu.memory_space<vmem>>
      %dma_wait3A_278 = arith.constant 0 : i32
      %dma_wait3A_279 = tpu.memref_slice %arg10[%rem3A_227, %dma_wait3A_272, %dma_wait3A_278] : memref<2x4x128xi32, #tpu.memory_space<vmem>> -> memref<1x1x128xi32, #tpu.memory_space<vmem>>
      %dma_wait3A_280 = tpu.memref_squeeze %dma_wait3A_279 : memref<1x1x128xi32, #tpu.memory_space<vmem>> -> memref<128xi32, #tpu.memory_space<vmem>>
      %dma_wait3A_281 = arith.constant 0 : i32
      %dma_wait3A_282 = arith.constant 0 : i32
      %dma_wait3A_283 = tpu.memref_slice %arg7[%dma_wait3A_281, %dma_wait3A_282] : memref<10240x128xf32, #tpu.memory_space<vmem_shared>> -> memref<10240x128xf32, #tpu.memory_space<vmem_shared>>
      %dma_wait3A_284 = tpu.memref_slice %arg15[%dma_wait3A_273] : memref<2x!tpu.dma_semaphore, #tpu.memory_space<semaphore_mem>> -> memref<1x!tpu.dma_semaphore, #tpu.memory_space<semaphore_mem>>
      %dma_wait3A_285 = tpu.memref_squeeze %dma_wait3A_284 : memref<1x!tpu.dma_semaphore, #tpu.memory_space<semaphore_mem>> -> memref<!tpu.dma_semaphore, #tpu.memory_space<semaphore_mem>>
      tpu.wait_indirect_dma semaphore(%dma_wait3A_285 : memref<!tpu.dma_semaphore, #tpu.memory_space<semaphore_mem>>) src(%dma_wait3A_277 : memref<128x128xf32, #tpu.memory_space<vmem>>) dst(%dma_wait3A_283 : memref<10240x128xf32, #tpu.memory_space<vmem_shared>>)
      %dma_wait3A_286 = arith.constant 0 : i32
      %dma_wait3A_287 = arith.constant 0 : i32
      %dma_wait3A_288 = arith.constant 0 : i32
      %dma_wait3A_289 = tpu.memref_slice %arg10[%rem3A_227, %dma_wait3A_286, %dma_wait3A_288] : memref<2x4x128xi32, #tpu.memory_space<vmem>> -> memref<1x1x128xi32, #tpu.memory_space<vmem>>
      %dma_wait3A_290 = tpu.memref_squeeze %dma_wait3A_289 : memref<1x1x128xi32, #tpu.memory_space<vmem>> -> memref<128xi32, #tpu.memory_space<vmem>>
      %dma_wait3A_291 = arith.constant 0 : i32
      %dma_wait3A_292 = tpu.memref_slice %arg8[%dma_wait3A_291] : memref<10240xf32, #tpu.memory_space<vmem_shared>> -> memref<10240xf32, #tpu.memory_space<vmem_shared>>
      %dma_wait3A_293 = tpu.memref_slice %arg16[%dma_wait3A_287] : memref<2x!tpu.dma_semaphore, #tpu.memory_space<semaphore_mem>> -> memref<1x!tpu.dma_semaphore, #tpu.memory_space<semaphore_mem>>
      %dma_wait3A_294 = tpu.memref_squeeze %dma_wait3A_293 : memref<1x!tpu.dma_semaphore, #tpu.memory_space<semaphore_mem>> -> memref<!tpu.dma_semaphore, #tpu.memory_space<semaphore_mem>>
      tpu.wait_indirect_dma semaphore(%dma_wait3A_294 : memref<!tpu.dma_semaphore, #tpu.memory_space<semaphore_mem>>) src(%arg12 : memref<128xf32, #tpu.memory_space<vmem>>) dst(%dma_wait3A_292 : memref<10240xf32, #tpu.memory_space<vmem_shared>>)
      %dma_start3A_295 = arith.constant 2 : i32
      %dma_start3A_296 = arith.constant 0 : i32
      %dma_start3A_297 = arith.constant 0 : i32
      %dma_start3A_298 = arith.constant 0 : i32
      %dma_start3A_299 = arith.constant 0 : i32
      %dma_start3A_300 = tpu.memref_slice %arg11[%dma_start3A_296, %dma_start3A_298, %dma_start3A_299] : memref<2x128x128xf32, #tpu.memory_space<vmem>> -> memref<1x128x128xf32, #tpu.memory_space<vmem>>
      %dma_start3A_301 = tpu.memref_squeeze %dma_start3A_300 : memref<1x128x128xf32, #tpu.memory_space<vmem>> -> memref<128x128xf32, #tpu.memory_space<vmem>>
      %dma_start3A_302 = arith.constant 0 : i32
      %dma_start3A_303 = tpu.memref_slice %arg9[%rem3A_227, %dma_start3A_295, %dma_start3A_302] : memref<2x4x128xi32, #tpu.memory_space<vmem>> -> memref<1x1x128xi32, #tpu.memory_space<vmem>>
      %dma_start3A_304 = tpu.memref_squeeze %dma_start3A_303 : memref<1x1x128xi32, #tpu.memory_space<vmem>> -> memref<128xi32, #tpu.memory_space<vmem>>
      %dma_start3A_305 = arith.constant 0 : i32
      %dma_start3A_306 = arith.constant 0 : i32
      %dma_start3A_307 = tpu.memref_slice %arg2[%dma_start3A_305, %dma_start3A_306] : memref<10000x128xf32, #tpu.memory_space<hbm>> -> memref<10000x128xf32, #tpu.memory_space<hbm>>
      %dma_start3A_308 = tpu.memref_slice %arg14[%dma_start3A_297] : memref<2x!tpu.dma_semaphore, #tpu.memory_space<semaphore_mem>> -> memref<1x!tpu.dma_semaphore, #tpu.memory_space<semaphore_mem>>
      %dma_start3A_309 = tpu.memref_squeeze %dma_start3A_308 : memref<1x!tpu.dma_semaphore, #tpu.memory_space<semaphore_mem>> -> memref<!tpu.dma_semaphore, #tpu.memory_space<semaphore_mem>>
      tpu.enqueue_indirect_dma source(%dma_start3A_307 : memref<10000x128xf32, #tpu.memory_space<hbm>>) target(%dma_start3A_301 : memref<128x128xf32, #tpu.memory_space<vmem>>) offsets(%dma_start3A_304 : memref<128xi32, #tpu.memory_space<vmem>>) semaphore(%dma_start3A_309 : memref<!tpu.dma_semaphore, #tpu.memory_space<semaphore_mem>>)
      %dma_wait3A_310 = arith.constant 1 : i32
      %dma_wait3A_311 = arith.constant 1 : i32
      %dma_wait3A_312 = arith.constant 1 : i32
      %dma_wait3A_313 = arith.constant 0 : i32
      %dma_wait3A_314 = arith.constant 0 : i32
      %dma_wait3A_315 = tpu.memref_slice %arg11[%dma_wait3A_311, %dma_wait3A_313, %dma_wait3A_314] : memref<2x128x128xf32, #tpu.memory_space<vmem>> -> memref<1x128x128xf32, #tpu.memory_space<vmem>>
      %dma_wait3A_316 = tpu.memref_squeeze %dma_wait3A_315 : memref<1x128x128xf32, #tpu.memory_space<vmem>> -> memref<128x128xf32, #tpu.memory_space<vmem>>
      %dma_wait3A_317 = arith.constant 0 : i32
      %dma_wait3A_318 = tpu.memref_slice %arg9[%rem3A_227, %dma_wait3A_310, %dma_wait3A_317] : memref<2x4x128xi32, #tpu.memory_space<vmem>> -> memref<1x1x128xi32, #tpu.memory_space<vmem>>
      %dma_wait3A_319 = tpu.memref_squeeze %dma_wait3A_318 : memref<1x1x128xi32, #tpu.memory_space<vmem>> -> memref<128xi32, #tpu.memory_space<vmem>>
      %dma_wait3A_320 = arith.constant 0 : i32
      %dma_wait3A_321 = arith.constant 0 : i32
      %dma_wait3A_322 = tpu.memref_slice %arg2[%dma_wait3A_320, %dma_wait3A_321] : memref<10000x128xf32, #tpu.memory_space<hbm>> -> memref<10000x128xf32, #tpu.memory_space<hbm>>
      %dma_wait3A_323 = tpu.memref_slice %arg14[%dma_wait3A_312] : memref<2x!tpu.dma_semaphore, #tpu.memory_space<semaphore_mem>> -> memref<1x!tpu.dma_semaphore, #tpu.memory_space<semaphore_mem>>
      %dma_wait3A_324 = tpu.memref_squeeze %dma_wait3A_323 : memref<1x!tpu.dma_semaphore, #tpu.memory_space<semaphore_mem>> -> memref<!tpu.dma_semaphore, #tpu.memory_space<semaphore_mem>>
      tpu.wait_indirect_dma semaphore(%dma_wait3A_324 : memref<!tpu.dma_semaphore, #tpu.memory_space<semaphore_mem>>) src(%dma_wait3A_322 : memref<10000x128xf32, #tpu.memory_space<hbm>>) dst(%dma_wait3A_316 : memref<128x128xf32, #tpu.memory_space<vmem>>)
      %dma_start3A_325 = arith.constant 1 : i32
      %dma_start3A_326 = arith.constant 1 : i32
      %dma_start3A_327 = arith.constant 1 : i32
      %dma_start3A_328 = arith.constant 0 : i32
      %dma_start3A_329 = arith.constant 0 : i32
      %dma_start3A_330 = tpu.memref_slice %arg11[%dma_start3A_325, %dma_start3A_328, %dma_start3A_329] : memref<2x128x128xf32, #tpu.memory_space<vmem>> -> memref<1x128x128xf32, #tpu.memory_space<vmem>>
      %dma_start3A_331 = tpu.memref_squeeze %dma_start3A_330 : memref<1x128x128xf32, #tpu.memory_space<vmem>> -> memref<128x128xf32, #tpu.memory_space<vmem>>
      %dma_start3A_332 = arith.constant 0 : i32
      %dma_start3A_333 = tpu.memref_slice %arg10[%rem3A_227, %dma_start3A_326, %dma_start3A_332] : memref<2x4x128xi32, #tpu.memory_space<vmem>> -> memref<1x1x128xi32, #tpu.memory_space<vmem>>
      %dma_start3A_334 = tpu.memref_squeeze %dma_start3A_333 : memref<1x1x128xi32, #tpu.memory_space<vmem>> -> memref<128xi32, #tpu.memory_space<vmem>>
      %dma_start3A_335 = arith.constant 0 : i32
      %dma_start3A_336 = arith.constant 0 : i32
      %dma_start3A_337 = tpu.memref_slice %arg7[%dma_start3A_335, %dma_start3A_336] : memref<10240x128xf32, #tpu.memory_space<vmem_shared>> -> memref<10240x128xf32, #tpu.memory_space<vmem_shared>>
      %dma_start3A_338 = tpu.memref_slice %arg15[%dma_start3A_327] : memref<2x!tpu.dma_semaphore, #tpu.memory_space<semaphore_mem>> -> memref<1x!tpu.dma_semaphore, #tpu.memory_space<semaphore_mem>>
      %dma_start3A_339 = tpu.memref_squeeze %dma_start3A_338 : memref<1x!tpu.dma_semaphore, #tpu.memory_space<semaphore_mem>> -> memref<!tpu.dma_semaphore, #tpu.memory_space<semaphore_mem>>
      tpu.enqueue_indirect_dma source(%dma_start3A_331 : memref<128x128xf32, #tpu.memory_space<vmem>>) target(%dma_start3A_337 : memref<10240x128xf32, #tpu.memory_space<vmem_shared>>) offsets(%dma_start3A_334 : memref<128xi32, #tpu.memory_space<vmem>>) semaphore(%dma_start3A_339 : memref<!tpu.dma_semaphore, #tpu.memory_space<semaphore_mem>>) {add = true}
      %dma_start3A_340 = arith.constant 1 : i32
      %dma_start3A_341 = arith.constant 1 : i32
      %dma_start3A_342 = arith.constant 0 : i32
      %dma_start3A_343 = tpu.memref_slice %arg10[%rem3A_227, %dma_start3A_340, %dma_start3A_342] : memref<2x4x128xi32, #tpu.memory_space<vmem>> -> memref<1x1x128xi32, #tpu.memory_space<vmem>>
      %dma_start3A_344 = tpu.memref_squeeze %dma_start3A_343 : memref<1x1x128xi32, #tpu.memory_space<vmem>> -> memref<128xi32, #tpu.memory_space<vmem>>
      %dma_start3A_345 = arith.constant 0 : i32
      %dma_start3A_346 = tpu.memref_slice %arg8[%dma_start3A_345] : memref<10240xf32, #tpu.memory_space<vmem_shared>> -> memref<10240xf32, #tpu.memory_space<vmem_shared>>
      %dma_start3A_347 = tpu.memref_slice %arg16[%dma_start3A_341] : memref<2x!tpu.dma_semaphore, #tpu.memory_space<semaphore_mem>> -> memref<1x!tpu.dma_semaphore, #tpu.memory_space<semaphore_mem>>
      %dma_start3A_348 = tpu.memref_squeeze %dma_start3A_347 : memref<1x!tpu.dma_semaphore, #tpu.memory_space<semaphore_mem>> -> memref<!tpu.dma_semaphore, #tpu.memory_space<semaphore_mem>>
      tpu.enqueue_indirect_dma source(%arg12 : memref<128xf32, #tpu.memory_space<vmem>>) target(%dma_start3A_346 : memref<10240xf32, #tpu.memory_space<vmem_shared>>) offsets(%dma_start3A_344 : memref<128xi32, #tpu.memory_space<vmem>>) semaphore(%dma_start3A_348 : memref<!tpu.dma_semaphore, #tpu.memory_space<semaphore_mem>>) {add = true}
      %dma_wait3A_349 = arith.constant 1 : i32
      %dma_wait3A_350 = arith.constant 1 : i32
      %dma_wait3A_351 = arith.constant 1 : i32
      %dma_wait3A_352 = arith.constant 0 : i32
      %dma_wait3A_353 = arith.constant 0 : i32
      %dma_wait3A_354 = tpu.memref_slice %arg11[%dma_wait3A_349, %dma_wait3A_352, %dma_wait3A_353] : memref<2x128x128xf32, #tpu.memory_space<vmem>> -> memref<1x128x128xf32, #tpu.memory_space<vmem>>
      %dma_wait3A_355 = tpu.memref_squeeze %dma_wait3A_354 : memref<1x128x128xf32, #tpu.memory_space<vmem>> -> memref<128x128xf32, #tpu.memory_space<vmem>>
      %dma_wait3A_356 = arith.constant 0 : i32
      %dma_wait3A_357 = tpu.memref_slice %arg10[%rem3A_227, %dma_wait3A_350, %dma_wait3A_356] : memref<2x4x128xi32, #tpu.memory_space<vmem>> -> memref<1x1x128xi32, #tpu.memory_space<vmem>>
      %dma_wait3A_358 = tpu.memref_squeeze %dma_wait3A_357 : memref<1x1x128xi32, #tpu.memory_space<vmem>> -> memref<128xi32, #tpu.memory_space<vmem>>
      %dma_wait3A_359 = arith.constant 0 : i32
      %dma_wait3A_360 = arith.constant 0 : i32
      %dma_wait3A_361 = tpu.memref_slice %arg7[%dma_wait3A_359, %dma_wait3A_360] : memref<10240x128xf32, #tpu.memory_space<vmem_shared>> -> memref<10240x128xf32, #tpu.memory_space<vmem_shared>>
      %dma_wait3A_362 = tpu.memref_slice %arg15[%dma_wait3A_351] : memref<2x!tpu.dma_semaphore, #tpu.memory_space<semaphore_mem>> -> memref<1x!tpu.dma_semaphore, #tpu.memory_space<semaphore_mem>>
      %dma_wait3A_363 = tpu.memref_squeeze %dma_wait3A_362 : memref<1x!tpu.dma_semaphore, #tpu.memory_space<semaphore_mem>> -> memref<!tpu.dma_semaphore, #tpu.memory_space<semaphore_mem>>
      tpu.wait_indirect_dma semaphore(%dma_wait3A_363 : memref<!tpu.dma_semaphore, #tpu.memory_space<semaphore_mem>>) src(%dma_wait3A_355 : memref<128x128xf32, #tpu.memory_space<vmem>>) dst(%dma_wait3A_361 : memref<10240x128xf32, #tpu.memory_space<vmem_shared>>)
      %dma_wait3A_364 = arith.constant 1 : i32
      %dma_wait3A_365 = arith.constant 1 : i32
      %dma_wait3A_366 = arith.constant 0 : i32
      %dma_wait3A_367 = tpu.memref_slice %arg10[%rem3A_227, %dma_wait3A_364, %dma_wait3A_366] : memref<2x4x128xi32, #tpu.memory_space<vmem>> -> memref<1x1x128xi32, #tpu.memory_space<vmem>>
      %dma_wait3A_368 = tpu.memref_squeeze %dma_wait3A_367 : memref<1x1x128xi32, #tpu.memory_space<vmem>> -> memref<128xi32, #tpu.memory_space<vmem>>
      %dma_wait3A_369 = arith.constant 0 : i32
      %dma_wait3A_370 = tpu.memref_slice %arg8[%dma_wait3A_369] : memref<10240xf32, #tpu.memory_space<vmem_shared>> -> memref<10240xf32, #tpu.memory_space<vmem_shared>>
      %dma_wait3A_371 = tpu.memref_slice %arg16[%dma_wait3A_365] : memref<2x!tpu.dma_semaphore, #tpu.memory_space<semaphore_mem>> -> memref<1x!tpu.dma_semaphore, #tpu.memory_space<semaphore_mem>>
      %dma_wait3A_372 = tpu.memref_squeeze %dma_wait3A_371 : memref<1x!tpu.dma_semaphore, #tpu.memory_space<semaphore_mem>> -> memref<!tpu.dma_semaphore, #tpu.memory_space<semaphore_mem>>
      tpu.wait_indirect_dma semaphore(%dma_wait3A_372 : memref<!tpu.dma_semaphore, #tpu.memory_space<semaphore_mem>>) src(%arg12 : memref<128xf32, #tpu.memory_space<vmem>>) dst(%dma_wait3A_370 : memref<10240xf32, #tpu.memory_space<vmem_shared>>)
      %dma_start3A_373 = arith.constant 3 : i32
      %dma_start3A_374 = arith.constant 1 : i32
      %dma_start3A_375 = arith.constant 1 : i32
      %dma_start3A_376 = arith.constant 0 : i32
      %dma_start3A_377 = arith.constant 0 : i32
      %dma_start3A_378 = tpu.memref_slice %arg11[%dma_start3A_374, %dma_start3A_376, %dma_start3A_377] : memref<2x128x128xf32, #tpu.memory_space<vmem>> -> memref<1x128x128xf32, #tpu.memory_space<vmem>>
      %dma_start3A_379 = tpu.memref_squeeze %dma_start3A_378 : memref<1x128x128xf32, #tpu.memory_space<vmem>> -> memref<128x128xf32, #tpu.memory_space<vmem>>
      %dma_start3A_380 = arith.constant 0 : i32
      %dma_start3A_381 = tpu.memref_slice %arg9[%rem3A_227, %dma_start3A_373, %dma_start3A_380] : memref<2x4x128xi32, #tpu.memory_space<vmem>> -> memref<1x1x128xi32, #tpu.memory_space<vmem>>
      %dma_start3A_382 = tpu.memref_squeeze %dma_start3A_381 : memref<1x1x128xi32, #tpu.memory_space<vmem>> -> memref<128xi32, #tpu.memory_space<vmem>>
      %dma_start3A_383 = arith.constant 0 : i32
      %dma_start3A_384 = arith.constant 0 : i32
      %dma_start3A_385 = tpu.memref_slice %arg2[%dma_start3A_383, %dma_start3A_384] : memref<10000x128xf32, #tpu.memory_space<hbm>> -> memref<10000x128xf32, #tpu.memory_space<hbm>>
      %dma_start3A_386 = tpu.memref_slice %arg14[%dma_start3A_375] : memref<2x!tpu.dma_semaphore, #tpu.memory_space<semaphore_mem>> -> memref<1x!tpu.dma_semaphore, #tpu.memory_space<semaphore_mem>>
      %dma_start3A_387 = tpu.memref_squeeze %dma_start3A_386 : memref<1x!tpu.dma_semaphore, #tpu.memory_space<semaphore_mem>> -> memref<!tpu.dma_semaphore, #tpu.memory_space<semaphore_mem>>
      tpu.enqueue_indirect_dma source(%dma_start3A_385 : memref<10000x128xf32, #tpu.memory_space<hbm>>) target(%dma_start3A_379 : memref<128x128xf32, #tpu.memory_space<vmem>>) offsets(%dma_start3A_382 : memref<128xi32, #tpu.memory_space<vmem>>) semaphore(%dma_start3A_387 : memref<!tpu.dma_semaphore, #tpu.memory_space<semaphore_mem>>)
      %dma_wait3A_388 = arith.constant 2 : i32
      %dma_wait3A_389 = arith.constant 0 : i32
      %dma_wait3A_390 = arith.constant 0 : i32
      %dma_wait3A_391 = arith.constant 0 : i32
      %dma_wait3A_392 = arith.constant 0 : i32
      %dma_wait3A_393 = tpu.memref_slice %arg11[%dma_wait3A_389, %dma_wait3A_391, %dma_wait3A_392] : memref<2x128x128xf32, #tpu.memory_space<vmem>> -> memref<1x128x128xf32, #tpu.memory_space<vmem>>
      %dma_wait3A_394 = tpu.memref_squeeze %dma_wait3A_393 : memref<1x128x128xf32, #tpu.memory_space<vmem>> -> memref<128x128xf32, #tpu.memory_space<vmem>>
      %dma_wait3A_395 = arith.constant 0 : i32
      %dma_wait3A_396 = tpu.memref_slice %arg9[%rem3A_227, %dma_wait3A_388, %dma_wait3A_395] : memref<2x4x128xi32, #tpu.memory_space<vmem>> -> memref<1x1x128xi32, #tpu.memory_space<vmem>>
      %dma_wait3A_397 = tpu.memref_squeeze %dma_wait3A_396 : memref<1x1x128xi32, #tpu.memory_space<vmem>> -> memref<128xi32, #tpu.memory_space<vmem>>
      %dma_wait3A_398 = arith.constant 0 : i32
      %dma_wait3A_399 = arith.constant 0 : i32
      %dma_wait3A_400 = tpu.memref_slice %arg2[%dma_wait3A_398, %dma_wait3A_399] : memref<10000x128xf32, #tpu.memory_space<hbm>> -> memref<10000x128xf32, #tpu.memory_space<hbm>>
      %dma_wait3A_401 = tpu.memref_slice %arg14[%dma_wait3A_390] : memref<2x!tpu.dma_semaphore, #tpu.memory_space<semaphore_mem>> -> memref<1x!tpu.dma_semaphore, #tpu.memory_space<semaphore_mem>>
      %dma_wait3A_402 = tpu.memref_squeeze %dma_wait3A_401 : memref<1x!tpu.dma_semaphore, #tpu.memory_space<semaphore_mem>> -> memref<!tpu.dma_semaphore, #tpu.memory_space<semaphore_mem>>
      tpu.wait_indirect_dma semaphore(%dma_wait3A_402 : memref<!tpu.dma_semaphore, #tpu.memory_space<semaphore_mem>>) src(%dma_wait3A_400 : memref<10000x128xf32, #tpu.memory_space<hbm>>) dst(%dma_wait3A_394 : memref<128x128xf32, #tpu.memory_space<vmem>>)
      %dma_start3A_403 = arith.constant 0 : i32
      %dma_start3A_404 = arith.constant 2 : i32
      %dma_start3A_405 = arith.constant 0 : i32
      %dma_start3A_406 = arith.constant 0 : i32
      %dma_start3A_407 = arith.constant 0 : i32
      %dma_start3A_408 = tpu.memref_slice %arg11[%dma_start3A_403, %dma_start3A_406, %dma_start3A_407] : memref<2x128x128xf32, #tpu.memory_space<vmem>> -> memref<1x128x128xf32, #tpu.memory_space<vmem>>
      %dma_start3A_409 = tpu.memref_squeeze %dma_start3A_408 : memref<1x128x128xf32, #tpu.memory_space<vmem>> -> memref<128x128xf32, #tpu.memory_space<vmem>>
      %dma_start3A_410 = arith.constant 0 : i32
      %dma_start3A_411 = tpu.memref_slice %arg10[%rem3A_227, %dma_start3A_404, %dma_start3A_410] : memref<2x4x128xi32, #tpu.memory_space<vmem>> -> memref<1x1x128xi32, #tpu.memory_space<vmem>>
      %dma_start3A_412 = tpu.memref_squeeze %dma_start3A_411 : memref<1x1x128xi32, #tpu.memory_space<vmem>> -> memref<128xi32, #tpu.memory_space<vmem>>
      %dma_start3A_413 = arith.constant 0 : i32
      %dma_start3A_414 = arith.constant 0 : i32
      %dma_start3A_415 = tpu.memref_slice %arg7[%dma_start3A_413, %dma_start3A_414] : memref<10240x128xf32, #tpu.memory_space<vmem_shared>> -> memref<10240x128xf32, #tpu.memory_space<vmem_shared>>
      %dma_start3A_416 = tpu.memref_slice %arg15[%dma_start3A_405] : memref<2x!tpu.dma_semaphore, #tpu.memory_space<semaphore_mem>> -> memref<1x!tpu.dma_semaphore, #tpu.memory_space<semaphore_mem>>
      %dma_start3A_417 = tpu.memref_squeeze %dma_start3A_416 : memref<1x!tpu.dma_semaphore, #tpu.memory_space<semaphore_mem>> -> memref<!tpu.dma_semaphore, #tpu.memory_space<semaphore_mem>>
      tpu.enqueue_indirect_dma source(%dma_start3A_409 : memref<128x128xf32, #tpu.memory_space<vmem>>) target(%dma_start3A_415 : memref<10240x128xf32, #tpu.memory_space<vmem_shared>>) offsets(%dma_start3A_412 : memref<128xi32, #tpu.memory_space<vmem>>) semaphore(%dma_start3A_417 : memref<!tpu.dma_semaphore, #tpu.memory_space<semaphore_mem>>) {add = true}
      %dma_start3A_418 = arith.constant 2 : i32
      %dma_start3A_419 = arith.constant 0 : i32
      %dma_start3A_420 = arith.constant 0 : i32
      %dma_start3A_421 = tpu.memref_slice %arg10[%rem3A_227, %dma_start3A_418, %dma_start3A_420] : memref<2x4x128xi32, #tpu.memory_space<vmem>> -> memref<1x1x128xi32, #tpu.memory_space<vmem>>
      %dma_start3A_422 = tpu.memref_squeeze %dma_start3A_421 : memref<1x1x128xi32, #tpu.memory_space<vmem>> -> memref<128xi32, #tpu.memory_space<vmem>>
      %dma_start3A_423 = arith.constant 0 : i32
      %dma_start3A_424 = tpu.memref_slice %arg8[%dma_start3A_423] : memref<10240xf32, #tpu.memory_space<vmem_shared>> -> memref<10240xf32, #tpu.memory_space<vmem_shared>>
      %dma_start3A_425 = tpu.memref_slice %arg16[%dma_start3A_419] : memref<2x!tpu.dma_semaphore, #tpu.memory_space<semaphore_mem>> -> memref<1x!tpu.dma_semaphore, #tpu.memory_space<semaphore_mem>>
      %dma_start3A_426 = tpu.memref_squeeze %dma_start3A_425 : memref<1x!tpu.dma_semaphore, #tpu.memory_space<semaphore_mem>> -> memref<!tpu.dma_semaphore, #tpu.memory_space<semaphore_mem>>
      tpu.enqueue_indirect_dma source(%arg12 : memref<128xf32, #tpu.memory_space<vmem>>) target(%dma_start3A_424 : memref<10240xf32, #tpu.memory_space<vmem_shared>>) offsets(%dma_start3A_422 : memref<128xi32, #tpu.memory_space<vmem>>) semaphore(%dma_start3A_426 : memref<!tpu.dma_semaphore, #tpu.memory_space<semaphore_mem>>) {add = true}
      %dma_wait3A_427 = arith.constant 0 : i32
      %dma_wait3A_428 = arith.constant 2 : i32
      %dma_wait3A_429 = arith.constant 0 : i32
      %dma_wait3A_430 = arith.constant 0 : i32
      %dma_wait3A_431 = arith.constant 0 : i32
      %dma_wait3A_432 = tpu.memref_slice %arg11[%dma_wait3A_427, %dma_wait3A_430, %dma_wait3A_431] : memref<2x128x128xf32, #tpu.memory_space<vmem>> -> memref<1x128x128xf32, #tpu.memory_space<vmem>>
      %dma_wait3A_433 = tpu.memref_squeeze %dma_wait3A_432 : memref<1x128x128xf32, #tpu.memory_space<vmem>> -> memref<128x128xf32, #tpu.memory_space<vmem>>
      %dma_wait3A_434 = arith.constant 0 : i32
      %dma_wait3A_435 = tpu.memref_slice %arg10[%rem3A_227, %dma_wait3A_428, %dma_wait3A_434] : memref<2x4x128xi32, #tpu.memory_space<vmem>> -> memref<1x1x128xi32, #tpu.memory_space<vmem>>
      %dma_wait3A_436 = tpu.memref_squeeze %dma_wait3A_435 : memref<1x1x128xi32, #tpu.memory_space<vmem>> -> memref<128xi32, #tpu.memory_space<vmem>>
      %dma_wait3A_437 = arith.constant 0 : i32
      %dma_wait3A_438 = arith.constant 0 : i32
      %dma_wait3A_439 = tpu.memref_slice %arg7[%dma_wait3A_437, %dma_wait3A_438] : memref<10240x128xf32, #tpu.memory_space<vmem_shared>> -> memref<10240x128xf32, #tpu.memory_space<vmem_shared>>
      %dma_wait3A_440 = tpu.memref_slice %arg15[%dma_wait3A_429] : memref<2x!tpu.dma_semaphore, #tpu.memory_space<semaphore_mem>> -> memref<1x!tpu.dma_semaphore, #tpu.memory_space<semaphore_mem>>
      %dma_wait3A_441 = tpu.memref_squeeze %dma_wait3A_440 : memref<1x!tpu.dma_semaphore, #tpu.memory_space<semaphore_mem>> -> memref<!tpu.dma_semaphore, #tpu.memory_space<semaphore_mem>>
      tpu.wait_indirect_dma semaphore(%dma_wait3A_441 : memref<!tpu.dma_semaphore, #tpu.memory_space<semaphore_mem>>) src(%dma_wait3A_433 : memref<128x128xf32, #tpu.memory_space<vmem>>) dst(%dma_wait3A_439 : memref<10240x128xf32, #tpu.memory_space<vmem_shared>>)
      %dma_wait3A_442 = arith.constant 2 : i32
      %dma_wait3A_443 = arith.constant 0 : i32
      %dma_wait3A_444 = arith.constant 0 : i32
      %dma_wait3A_445 = tpu.memref_slice %arg10[%rem3A_227, %dma_wait3A_442, %dma_wait3A_444] : memref<2x4x128xi32, #tpu.memory_space<vmem>> -> memref<1x1x128xi32, #tpu.memory_space<vmem>>
      %dma_wait3A_446 = tpu.memref_squeeze %dma_wait3A_445 : memref<1x1x128xi32, #tpu.memory_space<vmem>> -> memref<128xi32, #tpu.memory_space<vmem>>
      %dma_wait3A_447 = arith.constant 0 : i32
      %dma_wait3A_448 = tpu.memref_slice %arg8[%dma_wait3A_447] : memref<10240xf32, #tpu.memory_space<vmem_shared>> -> memref<10240xf32, #tpu.memory_space<vmem_shared>>
      %dma_wait3A_449 = tpu.memref_slice %arg16[%dma_wait3A_443] : memref<2x!tpu.dma_semaphore, #tpu.memory_space<semaphore_mem>> -> memref<1x!tpu.dma_semaphore, #tpu.memory_space<semaphore_mem>>
      %dma_wait3A_450 = tpu.memref_squeeze %dma_wait3A_449 : memref<1x!tpu.dma_semaphore, #tpu.memory_space<semaphore_mem>> -> memref<!tpu.dma_semaphore, #tpu.memory_space<semaphore_mem>>
      tpu.wait_indirect_dma semaphore(%dma_wait3A_450 : memref<!tpu.dma_semaphore, #tpu.memory_space<semaphore_mem>>) src(%arg12 : memref<128xf32, #tpu.memory_space<vmem>>) dst(%dma_wait3A_448 : memref<10240xf32, #tpu.memory_space<vmem_shared>>)
      %add3A_451 = arith.constant 1 : i32
      %add3A_452 = arith.addi %scan3A_226, %add3A_451 : i32
      %lt3A_453 = arith.constant 20 : i32
      %lt3A_454 = arith.cmpi slt, %add3A_452, %lt3A_453 : i32
      %convert_element_type3A_455 = arith.extui %lt3A_454 : i1 to i32
      %cond3A_456 = arith.constant 0 : i32
      %cond3A_457 = arith.cmpi ne, %convert_element_type3A_455, %cond3A_456 : i32
      scf.if %cond3A_457 {
        %sub3A = arith.constant 1 : i32
        %sub3A_535 = arith.subi %sub3A, %rem3A_227 : i32
        %dma_start3A_536 = arith.constant 0 : i32
        %dma_start3A_537 = arith.constant 0 : i32
        %dma_start3A_538 = arith.constant 0 : i32
        %dma_start3A_539 = arith.constant 0 : i32
        %dma_start3A_540 = arith.constant 0 : i32
        %dma_start3A_541 = tpu.memref_slice %arg11[%dma_start3A_537, %dma_start3A_539, %dma_start3A_540] : memref<2x128x128xf32, #tpu.memory_space<vmem>> -> memref<1x128x128xf32, #tpu.memory_space<vmem>>
        %dma_start3A_542 = tpu.memref_squeeze %dma_start3A_541 : memref<1x128x128xf32, #tpu.memory_space<vmem>> -> memref<128x128xf32, #tpu.memory_space<vmem>>
        %dma_start3A_543 = arith.constant 0 : i32
        %dma_start3A_544 = tpu.memref_slice %arg9[%sub3A_535, %dma_start3A_536, %dma_start3A_543] : memref<2x4x128xi32, #tpu.memory_space<vmem>> -> memref<1x1x128xi32, #tpu.memory_space<vmem>>
        %dma_start3A_545 = tpu.memref_squeeze %dma_start3A_544 : memref<1x1x128xi32, #tpu.memory_space<vmem>> -> memref<128xi32, #tpu.memory_space<vmem>>
        %dma_start3A_546 = arith.constant 0 : i32
        %dma_start3A_547 = arith.constant 0 : i32
        %dma_start3A_548 = tpu.memref_slice %arg2[%dma_start3A_546, %dma_start3A_547] : memref<10000x128xf32, #tpu.memory_space<hbm>> -> memref<10000x128xf32, #tpu.memory_space<hbm>>
        %dma_start3A_549 = tpu.memref_slice %arg14[%dma_start3A_538] : memref<2x!tpu.dma_semaphore, #tpu.memory_space<semaphore_mem>> -> memref<1x!tpu.dma_semaphore, #tpu.memory_space<semaphore_mem>>
        %dma_start3A_550 = tpu.memref_squeeze %dma_start3A_549 : memref<1x!tpu.dma_semaphore, #tpu.memory_space<semaphore_mem>> -> memref<!tpu.dma_semaphore, #tpu.memory_space<semaphore_mem>>
        tpu.enqueue_indirect_dma source(%dma_start3A_548 : memref<10000x128xf32, #tpu.memory_space<hbm>>) target(%dma_start3A_542 : memref<128x128xf32, #tpu.memory_space<vmem>>) offsets(%dma_start3A_545 : memref<128xi32, #tpu.memory_space<vmem>>) semaphore(%dma_start3A_550 : memref<!tpu.dma_semaphore, #tpu.memory_space<semaphore_mem>>)
      } else {
      }
      %dma_wait3A_458 = arith.constant 3 : i32
      %dma_wait3A_459 = arith.constant 1 : i32
      %dma_wait3A_460 = arith.constant 1 : i32
      %dma_wait3A_461 = arith.constant 0 : i32
      %dma_wait3A_462 = arith.constant 0 : i32
      %dma_wait3A_463 = tpu.memref_slice %arg11[%dma_wait3A_459, %dma_wait3A_461, %dma_wait3A_462] : memref<2x128x128xf32, #tpu.memory_space<vmem>> -> memref<1x128x128xf32, #tpu.memory_space<vmem>>
      %dma_wait3A_464 = tpu.memref_squeeze %dma_wait3A_463 : memref<1x128x128xf32, #tpu.memory_space<vmem>> -> memref<128x128xf32, #tpu.memory_space<vmem>>
      %dma_wait3A_465 = arith.constant 0 : i32
      %dma_wait3A_466 = tpu.memref_slice %arg9[%rem3A_227, %dma_wait3A_458, %dma_wait3A_465] : memref<2x4x128xi32, #tpu.memory_space<vmem>> -> memref<1x1x128xi32, #tpu.memory_space<vmem>>
      %dma_wait3A_467 = tpu.memref_squeeze %dma_wait3A_466 : memref<1x1x128xi32, #tpu.memory_space<vmem>> -> memref<128xi32, #tpu.memory_space<vmem>>
      %dma_wait3A_468 = arith.constant 0 : i32
      %dma_wait3A_469 = arith.constant 0 : i32
      %dma_wait3A_470 = tpu.memref_slice %arg2[%dma_wait3A_468, %dma_wait3A_469] : memref<10000x128xf32, #tpu.memory_space<hbm>> -> memref<10000x128xf32, #tpu.memory_space<hbm>>
      %dma_wait3A_471 = tpu.memref_slice %arg14[%dma_wait3A_460] : memref<2x!tpu.dma_semaphore, #tpu.memory_space<semaphore_mem>> -> memref<1x!tpu.dma_semaphore, #tpu.memory_space<semaphore_mem>>
      %dma_wait3A_472 = tpu.memref_squeeze %dma_wait3A_471 : memref<1x!tpu.dma_semaphore, #tpu.memory_space<semaphore_mem>> -> memref<!tpu.dma_semaphore, #tpu.memory_space<semaphore_mem>>
      tpu.wait_indirect_dma semaphore(%dma_wait3A_472 : memref<!tpu.dma_semaphore, #tpu.memory_space<semaphore_mem>>) src(%dma_wait3A_470 : memref<10000x128xf32, #tpu.memory_space<hbm>>) dst(%dma_wait3A_464 : memref<128x128xf32, #tpu.memory_space<vmem>>)
      %dma_start3A_473 = arith.constant 1 : i32
      %dma_start3A_474 = arith.constant 3 : i32
      %dma_start3A_475 = arith.constant 1 : i32
      %dma_start3A_476 = arith.constant 0 : i32
      %dma_start3A_477 = arith.constant 0 : i32
      %dma_start3A_478 = tpu.memref_slice %arg11[%dma_start3A_473, %dma_start3A_476, %dma_start3A_477] : memref<2x128x128xf32, #tpu.memory_space<vmem>> -> memref<1x128x128xf32, #tpu.memory_space<vmem>>
      %dma_start3A_479 = tpu.memref_squeeze %dma_start3A_478 : memref<1x128x128xf32, #tpu.memory_space<vmem>> -> memref<128x128xf32, #tpu.memory_space<vmem>>
      %dma_start3A_480 = arith.constant 0 : i32
      %dma_start3A_481 = tpu.memref_slice %arg10[%rem3A_227, %dma_start3A_474, %dma_start3A_480] : memref<2x4x128xi32, #tpu.memory_space<vmem>> -> memref<1x1x128xi32, #tpu.memory_space<vmem>>
      %dma_start3A_482 = tpu.memref_squeeze %dma_start3A_481 : memref<1x1x128xi32, #tpu.memory_space<vmem>> -> memref<128xi32, #tpu.memory_space<vmem>>
      %dma_start3A_483 = arith.constant 0 : i32
      %dma_start3A_484 = arith.constant 0 : i32
      %dma_start3A_485 = tpu.memref_slice %arg7[%dma_start3A_483, %dma_start3A_484] : memref<10240x128xf32, #tpu.memory_space<vmem_shared>> -> memref<10240x128xf32, #tpu.memory_space<vmem_shared>>
      %dma_start3A_486 = tpu.memref_slice %arg15[%dma_start3A_475] : memref<2x!tpu.dma_semaphore, #tpu.memory_space<semaphore_mem>> -> memref<1x!tpu.dma_semaphore, #tpu.memory_space<semaphore_mem>>
      %dma_start3A_487 = tpu.memref_squeeze %dma_start3A_486 : memref<1x!tpu.dma_semaphore, #tpu.memory_space<semaphore_mem>> -> memref<!tpu.dma_semaphore, #tpu.memory_space<semaphore_mem>>
      tpu.enqueue_indirect_dma source(%dma_start3A_479 : memref<128x128xf32, #tpu.memory_space<vmem>>) target(%dma_start3A_485 : memref<10240x128xf32, #tpu.memory_space<vmem_shared>>) offsets(%dma_start3A_482 : memref<128xi32, #tpu.memory_space<vmem>>) semaphore(%dma_start3A_487 : memref<!tpu.dma_semaphore, #tpu.memory_space<semaphore_mem>>) {add = true}
      %dma_start3A_488 = arith.constant 3 : i32
      %dma_start3A_489 = arith.constant 1 : i32
      %dma_start3A_490 = arith.constant 0 : i32
      %dma_start3A_491 = tpu.memref_slice %arg10[%rem3A_227, %dma_start3A_488, %dma_start3A_490] : memref<2x4x128xi32, #tpu.memory_space<vmem>> -> memref<1x1x128xi32, #tpu.memory_space<vmem>>
      %dma_start3A_492 = tpu.memref_squeeze %dma_start3A_491 : memref<1x1x128xi32, #tpu.memory_space<vmem>> -> memref<128xi32, #tpu.memory_space<vmem>>
      %dma_start3A_493 = arith.constant 0 : i32
      %dma_start3A_494 = tpu.memref_slice %arg8[%dma_start3A_493] : memref<10240xf32, #tpu.memory_space<vmem_shared>> -> memref<10240xf32, #tpu.memory_space<vmem_shared>>
      %dma_start3A_495 = tpu.memref_slice %arg16[%dma_start3A_489] : memref<2x!tpu.dma_semaphore, #tpu.memory_space<semaphore_mem>> -> memref<1x!tpu.dma_semaphore, #tpu.memory_space<semaphore_mem>>
      %dma_start3A_496 = tpu.memref_squeeze %dma_start3A_495 : memref<1x!tpu.dma_semaphore, #tpu.memory_space<semaphore_mem>> -> memref<!tpu.dma_semaphore, #tpu.memory_space<semaphore_mem>>
      tpu.enqueue_indirect_dma source(%arg12 : memref<128xf32, #tpu.memory_space<vmem>>) target(%dma_start3A_494 : memref<10240xf32, #tpu.memory_space<vmem_shared>>) offsets(%dma_start3A_492 : memref<128xi32, #tpu.memory_space<vmem>>) semaphore(%dma_start3A_496 : memref<!tpu.dma_semaphore, #tpu.memory_space<semaphore_mem>>) {add = true}
      %dma_wait3A_497 = arith.constant 1 : i32
      %dma_wait3A_498 = arith.constant 3 : i32
      %dma_wait3A_499 = arith.constant 1 : i32
      %dma_wait3A_500 = arith.constant 0 : i32
      %dma_wait3A_501 = arith.constant 0 : i32
      %dma_wait3A_502 = tpu.memref_slice %arg11[%dma_wait3A_497, %dma_wait3A_500, %dma_wait3A_501] : memref<2x128x128xf32, #tpu.memory_space<vmem>> -> memref<1x128x128xf32, #tpu.memory_space<vmem>>
      %dma_wait3A_503 = tpu.memref_squeeze %dma_wait3A_502 : memref<1x128x128xf32, #tpu.memory_space<vmem>> -> memref<128x128xf32, #tpu.memory_space<vmem>>
      %dma_wait3A_504 = arith.constant 0 : i32
      %dma_wait3A_505 = tpu.memref_slice %arg10[%rem3A_227, %dma_wait3A_498, %dma_wait3A_504] : memref<2x4x128xi32, #tpu.memory_space<vmem>> -> memref<1x1x128xi32, #tpu.memory_space<vmem>>
      %dma_wait3A_506 = tpu.memref_squeeze %dma_wait3A_505 : memref<1x1x128xi32, #tpu.memory_space<vmem>> -> memref<128xi32, #tpu.memory_space<vmem>>
      %dma_wait3A_507 = arith.constant 0 : i32
      %dma_wait3A_508 = arith.constant 0 : i32
      %dma_wait3A_509 = tpu.memref_slice %arg7[%dma_wait3A_507, %dma_wait3A_508] : memref<10240x128xf32, #tpu.memory_space<vmem_shared>> -> memref<10240x128xf32, #tpu.memory_space<vmem_shared>>
      %dma_wait3A_510 = tpu.memref_slice %arg15[%dma_wait3A_499] : memref<2x!tpu.dma_semaphore, #tpu.memory_space<semaphore_mem>> -> memref<1x!tpu.dma_semaphore, #tpu.memory_space<semaphore_mem>>
      %dma_wait3A_511 = tpu.memref_squeeze %dma_wait3A_510 : memref<1x!tpu.dma_semaphore, #tpu.memory_space<semaphore_mem>> -> memref<!tpu.dma_semaphore, #tpu.memory_space<semaphore_mem>>
      tpu.wait_indirect_dma semaphore(%dma_wait3A_511 : memref<!tpu.dma_semaphore, #tpu.memory_space<semaphore_mem>>) src(%dma_wait3A_503 : memref<128x128xf32, #tpu.memory_space<vmem>>) dst(%dma_wait3A_509 : memref<10240x128xf32, #tpu.memory_space<vmem_shared>>)
      %dma_wait3A_512 = arith.constant 3 : i32
      %dma_wait3A_513 = arith.constant 1 : i32
      %dma_wait3A_514 = arith.constant 0 : i32
      %dma_wait3A_515 = tpu.memref_slice %arg10[%rem3A_227, %dma_wait3A_512, %dma_wait3A_514] : memref<2x4x128xi32, #tpu.memory_space<vmem>> -> memref<1x1x128xi32, #tpu.memory_space<vmem>>
      %dma_wait3A_516 = tpu.memref_squeeze %dma_wait3A_515 : memref<1x1x128xi32, #tpu.memory_space<vmem>> -> memref<128xi32, #tpu.memory_space<vmem>>
      %dma_wait3A_517 = arith.constant 0 : i32
      %dma_wait3A_518 = tpu.memref_slice %arg8[%dma_wait3A_517] : memref<10240xf32, #tpu.memory_space<vmem_shared>> -> memref<10240xf32, #tpu.memory_space<vmem_shared>>
      %dma_wait3A_519 = tpu.memref_slice %arg16[%dma_wait3A_513] : memref<2x!tpu.dma_semaphore, #tpu.memory_space<semaphore_mem>> -> memref<1x!tpu.dma_semaphore, #tpu.memory_space<semaphore_mem>>
      %dma_wait3A_520 = tpu.memref_squeeze %dma_wait3A_519 : memref<1x!tpu.dma_semaphore, #tpu.memory_space<semaphore_mem>> -> memref<!tpu.dma_semaphore, #tpu.memory_space<semaphore_mem>>
      tpu.wait_indirect_dma semaphore(%dma_wait3A_520 : memref<!tpu.dma_semaphore, #tpu.memory_space<semaphore_mem>>) src(%arg12 : memref<128xf32, #tpu.memory_space<vmem>>) dst(%dma_wait3A_518 : memref<10240xf32, #tpu.memory_space<vmem_shared>>)
      %add3A_521 = arith.constant 1 : i32
      %add3A_522 = arith.addi %scan3A_226, %add3A_521 : i32
      %lt3A_523 = arith.constant 20 : i32
      %lt3A_524 = arith.cmpi slt, %add3A_522, %lt3A_523 : i32
      %convert_element_type3A_525 = arith.extui %lt3A_524 : i1 to i32
      %cond3A_526 = arith.constant 0 : i32
      %cond3A_527 = arith.cmpi ne, %convert_element_type3A_525, %cond3A_526 : i32
      scf.if %cond3A_527 {
        %sub3A = arith.constant 1 : i32
        %sub3A_535 = arith.subi %sub3A, %rem3A_227 : i32
        %dma_start3A_536 = arith.constant 1 : i32
        %dma_start3A_537 = arith.constant 1 : i32
        %dma_start3A_538 = arith.constant 1 : i32
        %dma_start3A_539 = arith.constant 0 : i32
        %dma_start3A_540 = arith.constant 0 : i32
        %dma_start3A_541 = tpu.memref_slice %arg11[%dma_start3A_537, %dma_start3A_539, %dma_start3A_540] : memref<2x128x128xf32, #tpu.memory_space<vmem>> -> memref<1x128x128xf32, #tpu.memory_space<vmem>>
        %dma_start3A_542 = tpu.memref_squeeze %dma_start3A_541 : memref<1x128x128xf32, #tpu.memory_space<vmem>> -> memref<128x128xf32, #tpu.memory_space<vmem>>
        %dma_start3A_543 = arith.constant 0 : i32
        %dma_start3A_544 = tpu.memref_slice %arg9[%sub3A_535, %dma_start3A_536, %dma_start3A_543] : memref<2x4x128xi32, #tpu.memory_space<vmem>> -> memref<1x1x128xi32, #tpu.memory_space<vmem>>
        %dma_start3A_545 = tpu.memref_squeeze %dma_start3A_544 : memref<1x1x128xi32, #tpu.memory_space<vmem>> -> memref<128xi32, #tpu.memory_space<vmem>>
        %dma_start3A_546 = arith.constant 0 : i32
        %dma_start3A_547 = arith.constant 0 : i32
        %dma_start3A_548 = tpu.memref_slice %arg2[%dma_start3A_546, %dma_start3A_547] : memref<10000x128xf32, #tpu.memory_space<hbm>> -> memref<10000x128xf32, #tpu.memory_space<hbm>>
        %dma_start3A_549 = tpu.memref_slice %arg14[%dma_start3A_538] : memref<2x!tpu.dma_semaphore, #tpu.memory_space<semaphore_mem>> -> memref<1x!tpu.dma_semaphore, #tpu.memory_space<semaphore_mem>>
        %dma_start3A_550 = tpu.memref_squeeze %dma_start3A_549 : memref<1x!tpu.dma_semaphore, #tpu.memory_space<semaphore_mem>> -> memref<!tpu.dma_semaphore, #tpu.memory_space<semaphore_mem>>
        tpu.enqueue_indirect_dma source(%dma_start3A_548 : memref<10000x128xf32, #tpu.memory_space<hbm>>) target(%dma_start3A_542 : memref<128x128xf32, #tpu.memory_space<vmem>>) offsets(%dma_start3A_545 : memref<128xi32, #tpu.memory_space<vmem>>) semaphore(%dma_start3A_550 : memref<!tpu.dma_semaphore, #tpu.memory_space<semaphore_mem>>)
      } else {
      }
      %add3A_528 = arith.constant 2 : i32
      %add3A_529 = arith.addi %scan3A_226, %add3A_528 : i32
      %lt3A_530 = arith.constant 20 : i32
      %lt3A_531 = arith.cmpi slt, %add3A_529, %lt3A_530 : i32
      %convert_element_type3A_532 = arith.extui %lt3A_531 : i1 to i32
      %cond3A_533 = arith.constant 0 : i32
      %cond3A_534 = arith.cmpi ne, %convert_element_type3A_532, %cond3A_533 : i32
      scf.if %cond3A_534 {
        %add3A_535 = arith.constant 2 : i32
        %add3A_536 = arith.addi %scan3A_226, %add3A_535 : i32
        %mul3A_537 = arith.constant 20 : i32
        %mul3A_538 = arith.muli %add3A, %mul3A_537 : i32
        %add3A_539 = arith.addi %mul3A_538, %add3A_536 : i32
        %mul3A_540 = arith.constant 4 : i32
        %mul3A_541 = arith.muli %add3A_539, %mul3A_540 : i32
        %dma_start3A_542 = arith.constant 0 : i32
        %dma_start3A_543 = arith.constant 0 : i32
        %dma_start3A_544 = arith.constant 0 : i32
        %dma_start3A_545 = tpu.memref_slice %arg9[%rem3A_227, %dma_start3A_543, %dma_start3A_544] : memref<2x4x128xi32, #tpu.memory_space<vmem>> -> memref<1x4x128xi32, #tpu.memory_space<vmem>>
        %dma_start3A_546 = tpu.memref_squeeze %dma_start3A_545 : memref<1x4x128xi32, #tpu.memory_space<vmem>> -> memref<4x128xi32, #tpu.memory_space<vmem>>
        %dma_start3A_547 = arith.constant 0 : i32
        %dma_start3A_548 = tpu.memref_slice %arg3[%mul3A_541, %dma_start3A_547] : memref<2560x128xi32, #tpu.memory_space<hbm>> -> memref<4x128xi32, #tpu.memory_space<hbm>>
        %dma_start3A_549 = tpu.memref_slice %arg17[%dma_start3A_542] : memref<2x!tpu.dma_semaphore, #tpu.memory_space<semaphore_mem>> -> memref<1x!tpu.dma_semaphore, #tpu.memory_space<semaphore_mem>>
        %dma_start3A_550 = tpu.memref_squeeze %dma_start3A_549 : memref<1x!tpu.dma_semaphore, #tpu.memory_space<semaphore_mem>> -> memref<!tpu.dma_semaphore, #tpu.memory_space<semaphore_mem>>
        %dma_start3A_551 = arith.constant 0 : i32
        %dma_start3A_552 = arith.constant 0 : i32
        %dma_start3A_553 = tpu.memref_slice %arg9[%rem3A_227, %dma_start3A_551, %dma_start3A_552] : memref<2x4x128xi32, #tpu.memory_space<vmem>> -> memref<1x4x128xi32, #tpu.memory_space<vmem>>
        %dma_start3A_554 = tpu.memref_squeeze %dma_start3A_553 : memref<1x4x128xi32, #tpu.memory_space<vmem>> -> memref<4x128xi32, #tpu.memory_space<vmem>>
        %dma_start3A_555 = arith.constant 0 : i32
        %dma_start3A_556 = tpu.memref_slice %arg3[%mul3A_541, %dma_start3A_555] : memref<2560x128xi32, #tpu.memory_space<hbm>> -> memref<4x128xi32, #tpu.memory_space<hbm>>
        tpu.enqueue_dma source(%dma_start3A_556 : memref<4x128xi32, #tpu.memory_space<hbm>>) target(%dma_start3A_554 : memref<4x128xi32, #tpu.memory_space<vmem>>) target_semaphore(%dma_start3A_550 : memref<!tpu.dma_semaphore, #tpu.memory_space<semaphore_mem>>)
        %mul3A_557 = arith.constant 20 : i32
        %mul3A_558 = arith.muli %add3A, %mul3A_557 : i32
        %add3A_559 = arith.addi %mul3A_558, %add3A_536 : i32
        %mul3A_560 = arith.constant 4 : i32
        %mul3A_561 = arith.muli %add3A_559, %mul3A_560 : i32
        %dma_start3A_562 = arith.constant 1 : i32
        %dma_start3A_563 = arith.constant 0 : i32
        %dma_start3A_564 = arith.constant 0 : i32
        %dma_start3A_565 = tpu.memref_slice %arg10[%rem3A_227, %dma_start3A_563, %dma_start3A_564] : memref<2x4x128xi32, #tpu.memory_space<vmem>> -> memref<1x4x128xi32, #tpu.memory_space<vmem>>
        %dma_start3A_566 = tpu.memref_squeeze %dma_start3A_565 : memref<1x4x128xi32, #tpu.memory_space<vmem>> -> memref<4x128xi32, #tpu.memory_space<vmem>>
        %dma_start3A_567 = arith.constant 0 : i32
        %dma_start3A_568 = tpu.memref_slice %arg4[%mul3A_561, %dma_start3A_567] : memref<2560x128xi32, #tpu.memory_space<hbm>> -> memref<4x128xi32, #tpu.memory_space<hbm>>
        %dma_start3A_569 = tpu.memref_slice %arg17[%dma_start3A_562] : memref<2x!tpu.dma_semaphore, #tpu.memory_space<semaphore_mem>> -> memref<1x!tpu.dma_semaphore, #tpu.memory_space<semaphore_mem>>
        %dma_start3A_570 = tpu.memref_squeeze %dma_start3A_569 : memref<1x!tpu.dma_semaphore, #tpu.memory_space<semaphore_mem>> -> memref<!tpu.dma_semaphore, #tpu.memory_space<semaphore_mem>>
        %dma_start3A_571 = arith.constant 0 : i32
        %dma_start3A_572 = arith.constant 0 : i32
        %dma_start3A_573 = tpu.memref_slice %arg10[%rem3A_227, %dma_start3A_571, %dma_start3A_572] : memref<2x4x128xi32, #tpu.memory_space<vmem>> -> memref<1x4x128xi32, #tpu.memory_space<vmem>>
        %dma_start3A_574 = tpu.memref_squeeze %dma_start3A_573 : memref<1x4x128xi32, #tpu.memory_space<vmem>> -> memref<4x128xi32, #tpu.memory_space<vmem>>
        %dma_start3A_575 = arith.constant 0 : i32
        %dma_start3A_576 = tpu.memref_slice %arg4[%mul3A_561, %dma_start3A_575] : memref<2560x128xi32, #tpu.memory_space<hbm>> -> memref<4x128xi32, #tpu.memory_space<hbm>>
        tpu.enqueue_dma source(%dma_start3A_576 : memref<4x128xi32, #tpu.memory_space<hbm>>) target(%dma_start3A_574 : memref<4x128xi32, #tpu.memory_space<vmem>>) target_semaphore(%dma_start3A_570 : memref<!tpu.dma_semaphore, #tpu.memory_space<semaphore_mem>>)
      } else {
      }
    }
    %scan3A_201 = arith.constant 20 : i32
    %barrier3A_202 = arith.constant 0 : index
    tpu.barrier barrier_id(%barrier3A_202)
    %mul3A_203 = arith.constant 10240 : i32
    %mul3A_204 = arith.muli %arg0, %mul3A_203 : i32
    %add3A_205 = arith.addi %mul3A_204, %mul3A_2 : i32
    %add3A_206 = arith.constant 0 : i32
    %add3A_207 = arith.addi %mul3A_2, %add3A_206 : i32
    %add3A_208 = arith.constant 0 : i32
    %add3A_209 = arith.addi %add3A_205, %add3A_208 : i32
    "tpu.region"() ({
      %run_scoped3A_226 = tpu.sem_alloc : memref<!tpu.dma_semaphore, #tpu.memory_space<semaphore_mem>>
      %dma_start3A_227 = arith.constant 0 : i32
      %dma_start3A_228 = tpu.memref_slice %arg5[%add3A_209, %dma_start3A_227] : memref<20480x128xf32, #tpu.memory_space<hbm>> -> memref<128x128xf32, #tpu.memory_space<hbm>>
      %dma_start3A_229 = arith.constant 0 : i32
      %dma_start3A_230 = tpu.memref_slice %arg7[%add3A_207, %dma_start3A_229] : memref<10240x128xf32, #tpu.memory_space<vmem_shared>> -> memref<128x128xf32, #tpu.memory_space<vmem_shared>>
      tpu.enqueue_dma source(%dma_start3A_230 : memref<128x128xf32, #tpu.memory_space<vmem_shared>>) target(%dma_start3A_228 : memref<128x128xf32, #tpu.memory_space<hbm>>) target_semaphore(%run_scoped3A_226 : memref<!tpu.dma_semaphore, #tpu.memory_space<semaphore_mem>>)
      %dma_wait3A_231 = arith.constant 0 : i32
      %dma_wait3A_232 = tpu.memref_slice %arg5[%add3A_209, %dma_wait3A_231] : memref<20480x128xf32, #tpu.memory_space<hbm>> -> memref<128x128xf32, #tpu.memory_space<hbm>>
      %dma_wait3A_233 = arith.constant 0 : i32
      %dma_wait3A_234 = tpu.memref_slice %arg7[%add3A_207, %dma_wait3A_233] : memref<10240x128xf32, #tpu.memory_space<vmem_shared>> -> memref<128x128xf32, #tpu.memory_space<vmem_shared>>
      tpu.wait_dma2 semaphore(%run_scoped3A_226 : memref<!tpu.dma_semaphore, #tpu.memory_space<semaphore_mem>>) src(%dma_wait3A_234 : memref<128x128xf32, #tpu.memory_space<vmem_shared>>) dst(%dma_wait3A_232 : memref<128x128xf32, #tpu.memory_space<hbm>>)
      tpu.yield
    }) : () -> ()
    %add3A_210 = arith.constant 128 : i32
    %add3A_211 = arith.addi %mul3A_2, %add3A_210 : i32
    %add3A_212 = arith.constant 128 : i32
    %add3A_213 = arith.addi %add3A_205, %add3A_212 : i32
    "tpu.region"() ({
      %run_scoped3A_226 = tpu.sem_alloc : memref<!tpu.dma_semaphore, #tpu.memory_space<semaphore_mem>>
      %dma_start3A_227 = arith.constant 0 : i32
      %dma_start3A_228 = tpu.memref_slice %arg5[%add3A_213, %dma_start3A_227] : memref<20480x128xf32, #tpu.memory_space<hbm>> -> memref<128x128xf32, #tpu.memory_space<hbm>>
      %dma_start3A_229 = arith.constant 0 : i32
      %dma_start3A_230 = tpu.memref_slice %arg7[%add3A_211, %dma_start3A_229] : memref<10240x128xf32, #tpu.memory_space<vmem_shared>> -> memref<128x128xf32, #tpu.memory_space<vmem_shared>>
      tpu.enqueue_dma source(%dma_start3A_230 : memref<128x128xf32, #tpu.memory_space<vmem_shared>>) target(%dma_start3A_228 : memref<128x128xf32, #tpu.memory_space<hbm>>) target_semaphore(%run_scoped3A_226 : memref<!tpu.dma_semaphore, #tpu.memory_space<semaphore_mem>>)
      %dma_wait3A_231 = arith.constant 0 : i32
      %dma_wait3A_232 = tpu.memref_slice %arg5[%add3A_213, %dma_wait3A_231] : memref<20480x128xf32, #tpu.memory_space<hbm>> -> memref<128x128xf32, #tpu.memory_space<hbm>>
      %dma_wait3A_233 = arith.constant 0 : i32
      %dma_wait3A_234 = tpu.memref_slice %arg7[%add3A_211, %dma_wait3A_233] : memref<10240x128xf32, #tpu.memory_space<vmem_shared>> -> memref<128x128xf32, #tpu.memory_space<vmem_shared>>
      tpu.wait_dma2 semaphore(%run_scoped3A_226 : memref<!tpu.dma_semaphore, #tpu.memory_space<semaphore_mem>>) src(%dma_wait3A_234 : memref<128x128xf32, #tpu.memory_space<vmem_shared>>) dst(%dma_wait3A_232 : memref<128x128xf32, #tpu.memory_space<hbm>>)
      tpu.yield
    }) : () -> ()
    %add3A_214 = arith.constant 256 : i32
    %add3A_215 = arith.addi %mul3A_2, %add3A_214 : i32
    %add3A_216 = arith.constant 256 : i32
    %add3A_217 = arith.addi %add3A_205, %add3A_216 : i32
    "tpu.region"() ({
      %run_scoped3A_226 = tpu.sem_alloc : memref<!tpu.dma_semaphore, #tpu.memory_space<semaphore_mem>>
      %dma_start3A_227 = arith.constant 0 : i32
      %dma_start3A_228 = tpu.memref_slice %arg5[%add3A_217, %dma_start3A_227] : memref<20480x128xf32, #tpu.memory_space<hbm>> -> memref<128x128xf32, #tpu.memory_space<hbm>>
      %dma_start3A_229 = arith.constant 0 : i32
      %dma_start3A_230 = tpu.memref_slice %arg7[%add3A_215, %dma_start3A_229] : memref<10240x128xf32, #tpu.memory_space<vmem_shared>> -> memref<128x128xf32, #tpu.memory_space<vmem_shared>>
      tpu.enqueue_dma source(%dma_start3A_230 : memref<128x128xf32, #tpu.memory_space<vmem_shared>>) target(%dma_start3A_228 : memref<128x128xf32, #tpu.memory_space<hbm>>) target_semaphore(%run_scoped3A_226 : memref<!tpu.dma_semaphore, #tpu.memory_space<semaphore_mem>>)
      %dma_wait3A_231 = arith.constant 0 : i32
      %dma_wait3A_232 = tpu.memref_slice %arg5[%add3A_217, %dma_wait3A_231] : memref<20480x128xf32, #tpu.memory_space<hbm>> -> memref<128x128xf32, #tpu.memory_space<hbm>>
      %dma_wait3A_233 = arith.constant 0 : i32
      %dma_wait3A_234 = tpu.memref_slice %arg7[%add3A_215, %dma_wait3A_233] : memref<10240x128xf32, #tpu.memory_space<vmem_shared>> -> memref<128x128xf32, #tpu.memory_space<vmem_shared>>
      tpu.wait_dma2 semaphore(%run_scoped3A_226 : memref<!tpu.dma_semaphore, #tpu.memory_space<semaphore_mem>>) src(%dma_wait3A_234 : memref<128x128xf32, #tpu.memory_space<vmem_shared>>) dst(%dma_wait3A_232 : memref<128x128xf32, #tpu.memory_space<hbm>>)
      tpu.yield
    }) : () -> ()
    %add3A_218 = arith.constant 384 : i32
    %add3A_219 = arith.addi %mul3A_2, %add3A_218 : i32
    %add3A_220 = arith.constant 384 : i32
    %add3A_221 = arith.addi %add3A_205, %add3A_220 : i32
    "tpu.region"() ({
      %run_scoped3A_226 = tpu.sem_alloc : memref<!tpu.dma_semaphore, #tpu.memory_space<semaphore_mem>>
      %dma_start3A_227 = arith.constant 0 : i32
      %dma_start3A_228 = tpu.memref_slice %arg5[%add3A_221, %dma_start3A_227] : memref<20480x128xf32, #tpu.memory_space<hbm>> -> memref<128x128xf32, #tpu.memory_space<hbm>>
      %dma_start3A_229 = arith.constant 0 : i32
      %dma_start3A_230 = tpu.memref_slice %arg7[%add3A_219, %dma_start3A_229] : memref<10240x128xf32, #tpu.memory_space<vmem_shared>> -> memref<128x128xf32, #tpu.memory_space<vmem_shared>>
      tpu.enqueue_dma source(%dma_start3A_230 : memref<128x128xf32, #tpu.memory_space<vmem_shared>>) target(%dma_start3A_228 : memref<128x128xf32, #tpu.memory_space<hbm>>) target_semaphore(%run_scoped3A_226 : memref<!tpu.dma_semaphore, #tpu.memory_space<semaphore_mem>>)
      %dma_wait3A_231 = arith.constant 0 : i32
      %dma_wait3A_232 = tpu.memref_slice %arg5[%add3A_221, %dma_wait3A_231] : memref<20480x128xf32, #tpu.memory_space<hbm>> -> memref<128x128xf32, #tpu.memory_space<hbm>>
      %dma_wait3A_233 = arith.constant 0 : i32
      %dma_wait3A_234 = tpu.memref_slice %arg7[%add3A_219, %dma_wait3A_233] : memref<10240x128xf32, #tpu.memory_space<vmem_shared>> -> memref<128x128xf32, #tpu.memory_space<vmem_shared>>
      tpu.wait_dma2 semaphore(%run_scoped3A_226 : memref<!tpu.dma_semaphore, #tpu.memory_space<semaphore_mem>>) src(%dma_wait3A_234 : memref<128x128xf32, #tpu.memory_space<vmem_shared>>) dst(%dma_wait3A_232 : memref<128x128xf32, #tpu.memory_space<hbm>>)
      tpu.yield
    }) : () -> ()
    %add3A_222 = arith.constant 512 : i32
    %add3A_223 = arith.addi %mul3A_2, %add3A_222 : i32
    %add3A_224 = arith.constant 512 : i32
    %add3A_225 = arith.addi %add3A_205, %add3A_224 : i32
    "tpu.region"() ({
      %run_scoped3A_226 = tpu.sem_alloc : memref<!tpu.dma_semaphore, #tpu.memory_space<semaphore_mem>>
      %dma_start3A_227 = arith.constant 0 : i32
      %dma_start3A_228 = tpu.memref_slice %arg5[%add3A_225, %dma_start3A_227] : memref<20480x128xf32, #tpu.memory_space<hbm>> -> memref<128x128xf32, #tpu.memory_space<hbm>>
      %dma_start3A_229 = arith.constant 0 : i32
      %dma_start3A_230 = tpu.memref_slice %arg7[%add3A_223, %dma_start3A_229] : memref<10240x128xf32, #tpu.memory_space<vmem_shared>> -> memref<128x128xf32, #tpu.memory_space<vmem_shared>>
      tpu.enqueue_dma source(%dma_start3A_230 : memref<128x128xf32, #tpu.memory_space<vmem_shared>>) target(%dma_start3A_228 : memref<128x128xf32, #tpu.memory_space<hbm>>) target_semaphore(%run_scoped3A_226 : memref<!tpu.dma_semaphore, #tpu.memory_space<semaphore_mem>>)
      %dma_wait3A_231 = arith.constant 0 : i32
      %dma_wait3A_232 = tpu.memref_slice %arg5[%add3A_225, %dma_wait3A_231] : memref<20480x128xf32, #tpu.memory_space<hbm>> -> memref<128x128xf32, #tpu.memory_space<hbm>>
      %dma_wait3A_233 = arith.constant 0 : i32
      %dma_wait3A_234 = tpu.memref_slice %arg7[%add3A_223, %dma_wait3A_233] : memref<10240x128xf32, #tpu.memory_space<vmem_shared>> -> memref<128x128xf32, #tpu.memory_space<vmem_shared>>
      tpu.wait_dma2 semaphore(%run_scoped3A_226 : memref<!tpu.dma_semaphore, #tpu.memory_space<semaphore_mem>>) src(%dma_wait3A_234 : memref<128x128xf32, #tpu.memory_space<vmem_shared>>) dst(%dma_wait3A_232 : memref<128x128xf32, #tpu.memory_space<hbm>>)
      tpu.yield
    }) : () -> ()
    "tpu.region"() ({
      %run_scoped3A_226 = tpu.sem_alloc : memref<!tpu.dma_semaphore, #tpu.memory_space<semaphore_mem>>
      %dma_start3A_227 = tpu.memref_slice %arg6[%add3A_205] : memref<20480xf32, #tpu.memory_space<hbm>> -> memref<640xf32, #tpu.memory_space<hbm>>
      %dma_start3A_228 = tpu.memref_slice %arg8[%mul3A_2] : memref<10240xf32, #tpu.memory_space<vmem_shared>> -> memref<640xf32, #tpu.memory_space<vmem_shared>>
      tpu.enqueue_dma source(%dma_start3A_228 : memref<640xf32, #tpu.memory_space<vmem_shared>>) target(%dma_start3A_227 : memref<640xf32, #tpu.memory_space<hbm>>) target_semaphore(%run_scoped3A_226 : memref<!tpu.dma_semaphore, #tpu.memory_space<semaphore_mem>>)
      %dma_wait3A_229 = tpu.memref_slice %arg6[%add3A_205] : memref<20480xf32, #tpu.memory_space<hbm>> -> memref<640xf32, #tpu.memory_space<hbm>>
      %dma_wait3A_230 = tpu.memref_slice %arg8[%mul3A_2] : memref<10240xf32, #tpu.memory_space<vmem_shared>> -> memref<640xf32, #tpu.memory_space<vmem_shared>>
      tpu.wait_dma2 semaphore(%run_scoped3A_226 : memref<!tpu.dma_semaphore, #tpu.memory_space<semaphore_mem>>) src(%dma_wait3A_230 : memref<640xf32, #tpu.memory_space<vmem_shared>>) dst(%dma_wait3A_229 : memref<640xf32, #tpu.memory_space<hbm>>)
      tpu.yield
    }) : () -> ()
    return
  }
}

module attributes {stable_mosaic.version = 14 : i64} {
  func.func @_tc_update_body(%arg0: i32, %arg1: memref<256x128xf32, #tpu.memory_space<vmem>>, %arg2: memref<256x128xf32, #tpu.memory_space<vmem>>, %arg3: memref<2x256xf32, #tpu.memory_space<vmem>>, %arg4: memref<256x128xf32, #tpu.memory_space<vmem>>, %arg5: memref<128x128xf32, #tpu.memory_space<vmem>>, %arg6: memref<128x128xf32, #tpu.memory_space<vmem>>, %arg7: memref<256x128xf32, #tpu.memory_space<vmem>>) attributes {dimension_semantics = [#tpu.dimension_semantics<arbitrary>], iteration_bounds = array<i64: 40>, scalar_prefetch = 0 : i64, scratch_operands = 0 : i64, tpu.core_type = #tpu.core_type<tc>, window_params = [{transform_indices = @transform_0, window_bounds = array<i64: 256, 128>}, {transform_indices = @transform_1, window_bounds = array<i64: 256, 128>}, {transform_indices = @transform_2, window_bounds = array<i64: 2, 256>}, {transform_indices = @transform_3, window_bounds = array<i64: 256, 128>}, {pipeline_mode = #tpu.pipeline_mode<synchronous>, transform_indices = @transform_4, window_bounds = array<i64: 128, 128>}, {pipeline_mode = #tpu.pipeline_mode<synchronous>, transform_indices = @transform_5, window_bounds = array<i64: 128, 128>}, {transform_indices = @transform_6, window_bounds = array<i64: 256, 128>}]} {
    %get3A = arith.constant 0 : index
    %get3A_0 = arith.constant 0 : index
    %get3A_1 = vector.load %arg1[%get3A, %get3A_0] : memref<256x128xf32, #tpu.memory_space<vmem>>, vector<256x128xf32>
    %get3A_2 = arith.constant 0 : index
    %get3A_3 = arith.constant 0 : index
    %get3A_4 = vector.load %arg2[%get3A_2, %get3A_3] : memref<256x128xf32, #tpu.memory_space<vmem>>, vector<256x128xf32>
    %add3A = arith.addf %get3A_1, %get3A_4 : vector<256x128xf32>
    %get3A_5 = arith.constant 0 : index
    %get3A_6 = arith.constant 0 : index
    %get3A_7 = vector.load %arg3[%get3A_5, %get3A_6] : memref<2x256xf32, #tpu.memory_space<vmem>>, vector<1x256xf32>
    %get3A_8 = arith.constant 1 : index
    %get3A_9 = arith.constant 0 : index
    %get3A_10 = vector.load %arg3[%get3A_8, %get3A_9] : memref<2x256xf32, #tpu.memory_space<vmem>>, vector<1x256xf32>
    %add3A_11 = arith.addf %get3A_7, %get3A_10 : vector<1x256xf32>
    %max3A = arith.constant 1.000000e+00 : f32
    %max3A_12 = vector.broadcast %max3A : f32 to vector<1x256xf32>
    %max3A_13 = arith.maximumf %add3A_11, %max3A_12 : vector<1x256xf32>
    %div3A = arith.constant 1.000000e+00 : f32
    %div3A_14 = vector.broadcast %div3A : f32 to vector<1x256xf32>
    %div3A_15 = arith.divf %div3A_14, %max3A_13 : vector<1x256xf32>
    %iota3A = tpu.iota {dimensions = array<i32: 0>} : vector<256x256xi32>
    %iota3A_16 = tpu.iota {dimensions = array<i32: 1>} : vector<256x256xi32>
    %eq3A = arith.cmpi eq, %iota3A, %iota3A_16 : vector<256x256xi32>
    %broadcast_in_dim3A = vector.shape_cast %div3A_15 : vector<1x256xf32> to vector<1x256xf32>
    %broadcast_in_dim3A_17 = vector.broadcast %broadcast_in_dim3A : vector<1x256xf32> to vector<256x256xf32>
    %jit3A = arith.constant 0.000000e+00 : f32
    %broadcast_in_dim3A_18 = vector.broadcast %jit3A : f32 to vector<256x256xf32>
    %select_n3A = arith.select %eq3A, %broadcast_in_dim3A_17, %broadcast_in_dim3A_18 : vector<256x256xi1>, vector<256x256xf32>
    %reduce_sum3A = arith.constant dense<0.000000e+00> : vector<256xf32>
    %reduce_sum3A_19 = vector.multi_reduction <add>, %select_n3A, %reduce_sum3A [1] : vector<256x256xf32> to vector<256xf32>
    %broadcast_in_dim3A_20 = vector.shape_cast %reduce_sum3A_19 : vector<256xf32> to vector<256x1xf32>
    %mul3A = vector.broadcast %broadcast_in_dim3A_20 : vector<256x1xf32> to vector<256x128xf32>
    %mul3A_21 = arith.mulf %add3A, %mul3A : vector<256x128xf32>
    %get3A_22 = arith.constant 0 : index
    %get3A_23 = arith.constant 0 : index
    %get3A_24 = vector.load %arg5[%get3A_22, %get3A_23] : memref<128x128xf32, #tpu.memory_space<vmem>>, vector<128x128xf32>
    %dot_general3A = arith.constant dense<0.000000e+00> : vector<256x128xf32>
    %dot_general3A_25 = tpu.matmul %mul3A_21, %get3A_24, %dot_general3A {dimension_numbers = #tpu.dot_dimension_numbers<[1], [0], [0], [1], [0, 0, 1, 1], [], []>, transpose_lhs_hint = false} : vector<256x128xf32>, vector<128x128xf32>, vector<256x128xf32> -> vector<256x128xf32>
    %get3A_26 = arith.constant 0 : index
    %get3A_27 = arith.constant 0 : index
    %get3A_28 = vector.load %arg4[%get3A_26, %get3A_27] : memref<256x128xf32, #tpu.memory_space<vmem>>, vector<256x128xf32>
    %get3A_29 = arith.constant 0 : index
    %get3A_30 = arith.constant 0 : index
    %get3A_31 = vector.load %arg6[%get3A_29, %get3A_30] : memref<128x128xf32, #tpu.memory_space<vmem>>, vector<128x128xf32>
    %dot_general3A_32 = arith.constant dense<0.000000e+00> : vector<256x128xf32>
    %dot_general3A_33 = tpu.matmul %get3A_28, %get3A_31, %dot_general3A_32 {dimension_numbers = #tpu.dot_dimension_numbers<[1], [0], [0], [1], [0, 0, 1, 1], [], []>, transpose_lhs_hint = false} : vector<256x128xf32>, vector<128x128xf32>, vector<256x128xf32> -> vector<256x128xf32>
    %add3A_34 = arith.addf %dot_general3A_25, %dot_general3A_33 : vector<256x128xf32>
    %swap3A = arith.constant 0 : index
    %swap3A_35 = arith.constant 0 : index
    %swap3A_36 = vector.load %arg7[%swap3A, %swap3A_35] : memref<256x128xf32, #tpu.memory_space<vmem>>, vector<256x128xf32>
    tpu.vector_store %arg7[%swap3A, %swap3A_35], %add3A_34 {strides = array<i32>} : memref<256x128xf32, #tpu.memory_space<vmem>>, vector<256x128xf32>,
    return
  }
  func.func @transform_0(%arg0: i32) -> (i32, i32) {
    %c0_i32 = arith.constant 0 : i32
    %c0_i32_0 = arith.constant 0 : i32
    return %arg0, %c0_i32 : i32, i32
  }
  func.func @transform_1(%arg0: i32) -> (i32, i32) {
    %add3A = arith.constant 40 : i32
    %add3A_0 = arith.addi %arg0, %add3A : i32
    %c0_i32 = arith.constant 0 : i32
    %c0_i32_1 = arith.constant 0 : i32
    return %add3A_0, %c0_i32 : i32, i32
  }
  func.func @transform_2(%arg0: i32) -> (i32, i32) {
    %c0_i32 = arith.constant 0 : i32
    %c0_i32_0 = arith.constant 0 : i32
    return %c0_i32, %arg0 : i32, i32
  }
  func.func @transform_3(%arg0: i32) -> (i32, i32) {
    %c0_i32 = arith.constant 0 : i32
    %c0_i32_0 = arith.constant 0 : i32
    return %arg0, %c0_i32 : i32, i32
  }
  func.func @transform_4(%arg0: i32) -> (i32, i32) {
    %c0_i32 = arith.constant 0 : i32
    %c0_i32_0 = arith.constant 0 : i32
    %c0_i32_1 = arith.constant 0 : i32
    return %c0_i32, %c0_i32_0 : i32, i32
  }
  func.func @transform_5(%arg0: i32) -> (i32, i32) {
    %c0_i32 = arith.constant 0 : i32
    %c0_i32_0 = arith.constant 0 : i32
    %c0_i32_1 = arith.constant 0 : i32
    return %c0_i32, %c0_i32_0 : i32, i32
  }
  func.func @transform_6(%arg0: i32) -> (i32, i32) {
    %c0_i32 = arith.constant 0 : i32
    %c0_i32_0 = arith.constant 0 : i32
    return %arg0, %c0_i32 : i32, i32
  }
}

</mosaic_0001>

<sc_bundles>
// kernel: kernel.4.cloned.1.call-start
scs
__scs_entry_jumppad:
0x0: {  	(pc) =	sbr.rel $0x88, $3  }
0x1: {  	(tag) =	ssettag $0x0;
	lr =	simm.s32 $0x1  }
0x2: {  	[smem:$0x3F9D] =	sst lr;
	_ =	strace $0xD0000000  }
0x3: {  	_ = 	snop  }
0x4: {  	_ = 	snop  }
0x5: {  	_ = 	snop  }
0x6: {  	_ = 	snop  }
0x7: {  	_ = 	snop  }
__scs_overlays_trampoline_lowered:
0x8: {  	[smem:$0x3FAC] =	sst s0  }
0x9: {  	[smem:$0x3FAD] =	sst s1  }
0xa: {  	[smem:$0x3FAE] =	sst s2  }
0xb: {  	[smem:$0x3FAF] =	sst s3  }
0xc: {  	[smem:$0x3FB0] =	sst s4  }
0xd: {  	[smem:$0x3FB1] =	sst s5  }
0xe: {  	[smem:$0x3FB2] =	sst s6  }
0xf: {  	[smem:$0x3FB3] =	sst s7  }
0x10: {  	[smem:$0x3FB4] =	sst s8  }
0x11: {  	[smem:$0x3FB5] =	sst s9;
	s0 =	simm.s32 @!p0 $0x0  }
0x12: {  	s1 =	sld [smem:$0x3F9B];
	s0 =	simm.s32 @p0 $0x1  }
0x13: {  	[smem:$0x3FB6] =	sst s0;
	s0 =	simm.s32 @!p1 $0x0  }
0x14: {  	s2 =	sld [smem:$0x3F9A];
	s0 =	simm.s32 @p1 $0x1  }
0x15: {  	[smem:$0x3FB7] =	sst s0;
	s0 =	simm.s32 @!p2 $0x0  }
0x16: {  	s3 =	sld [smem:$0x3FDB];
	s0 =	simm.s32 @p2 $0x1  }
0x17: {  	s4 =	simm.s32 $0x1BF5;
	[smem:$0x3FB9] =	sst s0  }
0x18: {  	s0 =	sld [smem:$0x3F9C];
	_ =	swait.ge [sflag:s4], $0x0  }
0x19: {  	s7 =	sld [smem:$0x3F9D]  }
0x1a: {  	s8 =	sadd.s32 $0xFFFFE003, lr  }
0x1b: {  	s9 =	sadd.s32 $0xFFFFFEF7, lr;
	s5 =	simm.s32 $0xFFFFFFFF;
	p2 =	slt.u32 s8, $0xFFFFF086  }
0x1c: {  	p1 =	slt.u32 s9, $0xF7A;
	s5 =	simm.s32 @!p2 $0x0  }
0x1d: {  	s5 =	simm.s32 @p1 $0x1;
	p0 =	seq.s32 s7, s2  }
0x1e: {  	s7 =	smul.u32 @!p0 $0xF7A, s2;
	p2 =	seq.s32 @!p0 s5, $0x0  }
0x1f: {  	s9 =	smul.u32 $0xF7A, s1;
	s8 =	simm.s32 @!p0 $0x1BF5;
	p2 =	por !p2, p0  }
0x20: {  	[sflag:s8] =	ssyncset.s32 @!p0 $0xFFFFF086;
	s6 =	sadd.s32 @!p0 s3, s7;
	s7 =	simm.s32 @!p0 $0x108  }
0x21: {  	s3 =	sadd.s32 s3, s9;
	s6 =	sadd.s32 @!p0 $0x88, s6;
	s7 =	simm.s32 @p2 $0x1082  }
0x22: {  	[simem:s7], [sflag:s8] =	dma.local @!p0 [hbm:s6], $0xF7A  }
0x23: {  	s9 =	sor.u32 $0xD0000000, s2;
	s6 =	simm.s32 $0x108;
	_ =	swait.ge @!p0 [sflag:s8], $0x0  }
0x24: {  	s3 =	sadd.s32 $0x88, s3;
	s6 =	simm.s32 @!p1 $0x1082;
	[sflag:s4] =	ssyncset.s32 $0xFFFFF086  }
0x25: {  	[simem:s6], [sflag:s4] =	dma.local [hbm:s3], $0xF7A  }
0x26: {  	[smem:$0x3F9D] =	sst s1;
	(tag) =	ssettag s2;
	_ =	strace s9  }
0x27: {  	s1 =	sld [smem:$0x3FAD]  }
0x28: {  	s2 =	sld [smem:$0x3FAE]  }
0x29: {  	s4 =	sld [smem:$0x3FB0]  }
0x2a: {  	p0 =	seq.s32 s5, $0x0;
	s5 =	sld [smem:$0x3FB1]  }
0x2b: {  	s6 =	sld [smem:$0x3FB2]  }
0x2c: {  	s7 =	sld [smem:$0x3FB3]  }
0x2d: {  	s3 =	simm.s32 $0x108;
	s8 =	sld [smem:$0x3FB4]  }
0x2e: {  	s3 =	simm.s32 @!p0 $0x1082;
	s9 =	sld [smem:$0x3FB5]  }
0x2f: {  	lr =	sadd.s32 s0, s3;
	s0 =	sld [smem:$0x3FAC]  }
0x30: {  	s3 =	sld [smem:$0x3FAF]  }
0x31: {  	[smem:$0x3FB8] =	sst s10  }
0x32: {  	s10 =	sld [smem:$0x3FB6];
	_ =	sdelay $0x3  }
0x33: {  	p0 =	seq.s32 s10, $0x1;
	s10 =	sld [smem:$0x3FB8];
	_ =	sdelay $0x3  }
0x34: {  	[smem:$0x3FB8] =	sst s10  }
0x35: {  	s10 =	sld [smem:$0x3FB7];
	_ =	sdelay $0x3  }
0x36: {  	p1 =	seq.s32 s10, $0x1;
	s10 =	sld [smem:$0x3FB8];
	_ =	sdelay $0x3  }
0x37: {  	[smem:$0x3FB8] =	sst s10  }
0x38: {  	s10 =	sld [smem:$0x3FB9]  }
0x39: {  	_ = 	snop;
	(pc) =	sbr.ind lr, $3  }
0x3a: {  	_ = 	snop  }
0x3b: {  	_ = 	snop  }
0x3c: {  	p2 =	seq.s32 s10, $0x1;
	s10 =	sld [smem:$0x3FB8]  }
0x3d: {  	_ =	shalt  }
0x3e: {  	_ =	shalt  }
0x3f: {  	_ =	shalt  }
0x40: {  	_ =	shalt  }
0x41: {  	_ =	shalt  }
0x42: {  	_ =	shalt  }
0x43: {  	_ =	shalt  }
0x44: {  	_ =	shalt  }
0x45: {  	_ =	shalt  }
0x46: {  	_ =	shalt  }
0x47: {  	_ =	shalt  }
0x48: {  	_ =	shalt  }
0x49: {  	_ =	shalt  }
0x4a: {  	_ =	shalt  }
0x4b: {  	_ =	shalt  }
0x4c: {  	_ =	shalt  }
0x4d: {  	_ =	shalt  }
0x4e: {  	_ =	shalt  }
0x4f: {  	_ =	shalt  }
0x50: {  	_ =	shalt  }
0x51: {  	_ =	shalt  }
0x52: {  	_ =	shalt  }
0x53: {  	_ =	shalt  }
0x54: {  	_ =	shalt  }
0x55: {  	_ =	shalt  }
0x56: {  	_ =	shalt  }
0x57: {  	_ =	shalt  }
0x58: {  	_ =	shalt  }
0x59: {  	_ =	shalt  }
0x5a: {  	_ =	shalt  }
0x5b: {  	_ =	shalt  }
0x5c: {  	_ =	shalt  }
0x5d: {  	_ =	shalt  }
0x5e: {  	_ =	shalt  }
0x5f: {  	_ =	shalt  }
0x60: {  	_ =	shalt  }
0x61: {  	_ =	shalt  }
0x62: {  	_ =	shalt  }
0x63: {  	_ =	shalt  }
0x64: {  	_ =	shalt  }
0x65: {  	_ =	shalt  }
0x66: {  	_ =	shalt  }
0x67: {  	_ =	shalt  }
0x68: {  	_ =	shalt  }
0x69: {  	_ =	shalt  }
0x6a: {  	_ =	shalt  }
0x6b: {  	_ =	shalt  }
0x6c: {  	_ =	shalt  }
0x6d: {  	_ =	shalt  }
0x6e: {  	_ =	shalt  }
0x6f: {  	_ =	shalt  }
0x70: {  	_ =	shalt  }
0x71: {  	_ =	shalt  }
0x72: {  	_ =	shalt  }
0x73: {  	_ =	shalt  }
0x74: {  	_ =	shalt  }
0x75: {  	_ =	shalt  }
0x76: {  	_ =	shalt  }
0x77: {  	_ =	shalt  }
0x78: {  	_ =	shalt  }
0x79: {  	_ =	shalt  }
0x7a: {  	_ =	shalt  }
0x7b: {  	_ =	shalt  }
0x7c: {  	_ =	shalt  }
0x7d: {  	_ =	shalt  }
0x7e: {  	_ =	shalt  }
0x7f: {  	_ =	shalt  }
0x80: {  	_ =	shalt  }
0x81: {  	_ =	shalt  }
0x82: {  	_ =	shalt  }
0x83: {  	_ =	shalt  }
0x84: {  	_ =	shalt  }
0x85: {  	_ =	shalt  }
0x86: {  	_ =	shalt  }
0x87: {  	_ =	shalt  }
.Lfunc_end0:
.L_simem_size_0:
called_computation_lowered:
.L_overlay_start_0:
0x88: {  	s2 =	sld [smem:$0x3FD9]  }
0x89: {  	s3 =	sld [smem:$0x3FFE];
	_ =	sdelay $0x1  }
0x8a: {  	s1 =	srdreg.scid  }
0x8b: {  	s0 =	sand.u32 $0x1, s1  }
0x8c: {  	s17 =	sshll.u32 s0, $0xA;
	s2 =	sadd.s32 s3, s2  }
0x8d: {  	s2 =	sadd.s32 s2, s17  }
0x8e: {  	[smem:$0x3FC4] =	sst s2  }
0x8f: {  	_ = 	snop  }
0x90: {  	s2 =	sld [smem:$0x3FC9]  }
0x91: {  	s18 =	sld [smem:$0x3FD0];
	(tm) =	ssettm $0x1  }
0x92: {  	s4 =	sld [smem:$0x3FFB];
	_ =	sdelay $0x3  }
0x93: {  	_ =	strace s4  }
0x94: {  	s4 =	sld [smem:$0x3FFC];
	_ =	sdelay $0x3  }
0x95: {  	_ =	strace s4  }
0x96: {  	s4 =	sld [smem:$0x3FFD];
	_ =	sdelay $0x3  }
0x97: {  	_ =	strace s4  }
0x98: {  	_ =	strace $0x8FFFFFFF  }
0x99: {  	s19 =	sld [smem:$0x3FDB];
	_ =	sdelay $0x1  }
0x9a: {  	s5 =	simm.s32 $_scs_section_size  }
0x9b: {  	s6 =	simm.s32 $_size__tile_overlayer_lowered;
	s7 =	simm.s32 $_tile_overlayer_lowered  }
0x9c: {  	s22 =	simm.s32 $0x1BFF;
	s21 =	sshll.u32 s7, $0x1;
	s4 =	sadd.s32 s5, s19  }
0x9d: {  	s8 =	simm.s32 $0x0;
	s20 =	sshll.u32 s6, $0x1;
	s6 =	sadd.s32 s21, s4  }
0x9e: {  	[timem:s8], [sflag:s22] =	dma.local [hbm:s6], s20  }
0x9f: {  	_ =	swait.ge [sflag:s22], s20  }
0xa0: {  	s5 =	ssub.s32 $0x0, s20;
	[sflag:s22] =	ssyncset.done $0x0  }
0xa1: {  	[sflag:s22] =	ssyncadd.s32 s5;
	_ =	sdelay $0x1  }
0xa2: {  	s23 =	simm.s32 $0x1B8B  }
0xa3: {  	_ =	swait.ge [sflag:s23], $0x1  }
0xa4: {  	[sflag:s23] =	ssyncset.done $0x0  }
0xa5: {  	s25 =	simm.s32 $0x1B8E;
	s24 =	sld [smem:$0x3FFE];
	[sflag:s23] =	ssyncadd.s32 $0xFFFFFFFF  }
0xa6: {  	s26 =	simm.s32 $execute0_lowered;
	[smem:$0x3FD2] =	sst s25  }
0xa7: {  	s6 =	sshll.u32 s26, $0x1;
	_ =	strace $0x80000046;
	[dreg:$0x1] =	wrdreg $0xFFFFFFFF  }
0xa8: {  	s28 =	simm.s32 $_size_execute0_lowered;
	s4 =	sadd.s32 s4, s6;
	[dreg:$0x0] =	wrdreg $0x0  }
0xa9: {  	s6 =	sshll.u32 s28, $0x1;
	[dreg:$0x2] =	wrdreg s4  }
0xaa: {  	[dreg:$0x3] =	wrdreg s6  }
0xab: {  	[dreg:$0x4] =	wrdreg $0xC0  }
0xac: {  	_ =	task [dreg:s8], $0x5FFFF  }
0xad: {  	[dreg:$0x1] =	wrdreg $0xFFFFFFFF  }
0xae: {  	[dreg:$0x0] =	wrdreg $0x60  }
0xaf: {  	[dreg:$0x2] =	wrdreg s2  }
0xb0: {  	[dreg:$0x3] =	wrdreg s18  }
0xb1: {  	[dreg:$0x4] =	wrdreg s24  }
0xb2: {  	[dreg:$0x5] =	wrdreg $0x0  }
0xb3: {  	[dreg:$0x6] =	wrdreg $0x140000  }
0xb4: {  	[dreg:$0x7] =	wrdreg $0x9  }
0xb5: {  	_ =	task.clear_ibuf [dreg:s8], $0x8FFFF;
	_ =	strace $0x90000046  }
0xb6: {  	s29 =	simm.s32 $0x9;
	_ =	strace $0x80000048  }
0xb7: {  	_ =	swait.ge [sflag:s29], $0x1  }
0xb8: {  	[sflag:s29] =	ssyncadd.s32 $0xFFFFFFFF  }
0xb9: {  	_ =	strace $0x90000048  }
0xba: {  	_ =	sfence  }
0xbb: {  	s30 =	sld [smem:$0x0];
	_ =	sdelay $0x2  }
0xbc: {  	s31 =	sshll.u32 s1, $0xD;
	s1 =	sshrl.u32 s1, $0x2  }
0xbd: {  	s3 =	sand.u32 $0x4000, s31;
	s1 =	sadd.s32 s1, s30  }
0xbe: {  	s0 =	sor.u32 s3, s0;
	s1 =	sshll.u32 s1, $0x11  }
0xbf: {  	s0 =	sor.u32 s1, s0  }
0xc0: {  	s0 =	sadd.s32 $0x8F2B, s0  }
0xc1: {  	[sflag:s0] =	ssyncadd.remote.s32 $0x1  }
0xc2: {  	_ =	sfence.sel $0xFFFF  }
0xc3: {  	[dreg:$0x0] =	wrdreg $0xFFFFFFFF;
	(pc) =	sbr.abs _section_cstart, $3  }
0xc4: {  	[dreg:$0x1] =	wrdreg $0xFFFFFFFF  }
0xc5: {  	_ =	task.clear_ibuf [dreg:s8], $0x2FFFF;
	_ =	strace $0x9FFFFFFF  }
0xc6: {  	(tm) =	ssettm $0x7FFFFFFF  }
0xc7: {  	_ =	shalt  }
tec
execute0_lowered:
.L_overlay_start_1:
0x0: {  	(tag) =	ssettag $0x1  }
0x1: {  	s0 =	rddreg [dreg:$0x0]  }
0x2: {  	s2 =	rddreg [dreg:$0x1]  }
0x3: {  	s1 =	rddreg [dreg:$0x2]  }
0x4: {  	s4 =	rddreg [dreg:$0x3]  }
0x5: {  	s3 =	srdreg.scid;
	s17 =	stileid.u32  }
0x6: {  	s5 =	rddreg [dreg:$0x4];
	s6 =	simm.s32 $0x0;
	s28 =	simm.s32 $0x9  }
0x7: {  	s29 =	simm.s32 $0x80;
	s31 =	simm.s32 $0x18A80;
	s13 =	smul.u32 $0x280, s17  }
0x8: {  	s3 =	sand.u32 $0x1, s3;
	[smem:$0x7FF] =	sst s6;
	s10 =	smul.u32 $0x50000, s17  }
0x9: {  	s7 =	smul.u32 $0x2800, s3;
	_ =	strace $0x80000047;
	s24 =	ssub.s32 $0x2, s3  }
0xa: {  	s25 =	sshll.u32 s3, $0x4;
	s3 =	smul.u32 $0x5000, s3;
	s10 =	sshrl.u32 s10, $0x2  }
0xb: {  	s11 =	sshrl.u32 s24, $0x1;
	s12 =	sor.u32 s17, s25;
	s26 =	sadd.s32 s13, s5  }
0xc: {  	s17 =	smul.u32 $0x500, s17;
	s7 =	sadd.s32 s13, s7;
	s15 =	ssub.s32 s24, s11  }
0xd: {  	s16 =	smul.u32 $0x500, s12;
	[dreg:$0x6] =	wrdreg s26;
	s8 =	sshll.u32 s7, $0x4  }
0xe: {  	s9 =	sshrl.u32 s7, $0x3;
	s7 =	sadd.s32 $0x1000, s1;
	s3 =	sadd.s32 s17, s3  }
0xf: {  	s26 =	smax.u32 s15, $0x1;
	s15 =	simm.s32 $0x1CA80;
	s17 =	simm.s32 $0x5  }
0x10: {  	s14 =	sadd.s32 s8, s1;
	s11 =	sadd.s32 s2, s16;
	[dreg:$0x11] =	wrdreg s26  }
0x11: {  	s12 =	sadd.s32 s7, s16;
	s16 =	sor.u32 $0x40, s16;
	[dreg:$0x7] =	wrdreg s11  }
0x12: {  	s1 =	sadd.s32 s9, s1;
	[dreg:$0x8] =	wrdreg s12;
	s13 =	sadd.s32 s2, s16  }
0x13: {  	s8 =	sadd.s32 s10, s4;
	s18 =	sadd.s32 s7, s16;
	[dreg:$0x9] =	wrdreg s13  }
0x14: {  	s26 =	simm.s32 $0x14A80;
	s19 =	sadd.s32 $0xBA00, s14;
	[dreg:$0xa] =	wrdreg s18  }
0x15: {  	s9 =	sadd.s32 $0x4000, s8;
	s20 =	sadd.s32 $0xC200, s14;
	[dreg:$0xb] =	wrdreg s19  }
0x16: {  	s23 =	sadd.s32 $0x8000, s8;
	s21 =	sadd.s32 $0xCA00, s14;
	[dreg:$0xc] =	wrdreg s20  }
0x17: {  	s24 =	sadd.s32 $0xC000, s8;
	s22 =	sadd.s32 $0xD200, s14;
	[dreg:$0xd] =	wrdreg s21  }
0x18: {  	s30 =	sadd.s32 $0x10000, s8;
	s25 =	sadd.s32 $0xDA00, s14;
	[dreg:$0xe] =	wrdreg s22  }
0x19: {  	s1 =	sadd.s32 $0xB000, s1;
	s14 =	simm.s32 $0x1;
	[dreg:$0xf] =	wrdreg s25  }
0x1a: {  	s16 =	simm.s32 $0x3;
	[dreg:$0x10] =	wrdreg s1;
	s25 =	sor.u32 $0x80, s3  }
0x1b: {  	v0 =	vimm.f32 $0.0e+00;
	v1 =	vimm.f32 $1.000000000e+00;
	s18 =	simm.s32 $0x2;
	s19 =	simm.s32 $0x4;
	s20 =	simm.s32 $0x6  }
.LBB2_1:
0x1c: {  	s21 =	simm.s32 $0x0;
	s22 =	simm.s32 $0x200  }
.LBB2_2:
0x1d: {  	p0 =	sne.s32 s22, $0xFE00;
	[tilespmem:s21+$0x14AF0] =	vst v0  }
0x1e: {  	[tilespmem:s21+$0x14A80] =	vst v0  }
0x1f: {  	[tilespmem:s21+$0x14A90] =	vst v0  }
.Ltmp0:
0x20: {  	[tilespmem:s21+$0x14AA0] =	vst v0;
	(pc) =	sbr.rel @p0 .LBB2_2-.Ltmp0, $4  }
0x21: {  	[tilespmem:s21+$0x14AB0] =	vst v0  }
0x22: {  	[tilespmem:s21+$0x14AC0] =	vst v0  }
0x23: {  	[tilespmem:s21+$0x14AD0] =	vst v0  }
0x24: {  	[tilespmem:s21+$0x14AE0] =	vst v0;
	s21 =	sshra.s32 s22, $0x2;
	s22 =	sadd.s32 $0x200, s22  }
0x25: {  	[tilespmem:s21+$0x14AF0] =	vst v0  }
0x26: {  	[tilespmem:s21+$0x14A80] =	vst v0  }
0x27: {  	[tilespmem:s21+$0x14A90] =	vst v0  }
0x28: {  	[tilespmem:s21+$0x14AA0] =	vst v0  }
0x29: {  	[tilespmem:s21+$0x14AB0] =	vst v0  }
0x2a: {  	[tilespmem:s21+$0x14AC0] =	vst v0  }
0x2b: {  	[tilespmem:s21+$0x14AD0] =	vst v0  }
0x2c: {  	[tilespmem:s21+$0x14AE0] =	vst v0  }
0x2d: {  	[tilespmem:$0x1CB00] =	vst v0  }
0x2e: {  	[tilespmem:$0x1CB10] =	vst v0  }
0x2f: {  	[tilespmem:$0x1CB20] =	vst v0  }
0x30: {  	[tilespmem:$0x1CB30] =	vst v0  }
0x31: {  	[tilespmem:$0x1CB40] =	vst v0  }
0x32: {  	[tilespmem:$0x1CB50] =	vst v0  }
0x33: {  	[tilespmem:$0x1CB60] =	vst v0  }
0x34: {  	[tilespmem:$0x1CB70] =	vst v0  }
0x35: {  	[tilespmem:$0x1CB80] =	vst v0  }
0x36: {  	[tilespmem:$0x1CB90] =	vst v0  }
0x37: {  	[tilespmem:$0x1CBA0] =	vst v0  }
0x38: {  	[tilespmem:$0x1CBB0] =	vst v0  }
0x39: {  	[tilespmem:$0x1CBC0] =	vst v0  }
0x3a: {  	[tilespmem:$0x1CBD0] =	vst v0  }
0x3b: {  	[tilespmem:$0x1CBE0] =	vst v0  }
0x3c: {  	[tilespmem:$0x1CBF0] =	vst v0  }
0x3d: {  	[tilespmem:$0x1CC00] =	vst v0  }
0x3e: {  	[tilespmem:$0x1CC10] =	vst v0  }
0x3f: {  	[tilespmem:$0x1CC20] =	vst v0  }
0x40: {  	[tilespmem:$0x1CC30] =	vst v0  }
0x41: {  	[tilespmem:$0x1CC40] =	vst v0  }
0x42: {  	[tilespmem:$0x1CC50] =	vst v0  }
0x43: {  	[tilespmem:$0x1CC60] =	vst v0  }
0x44: {  	[tilespmem:$0x1CC70] =	vst v0  }
0x45: {  	[tilespmem:$0x1CC80] =	vst v0  }
0x46: {  	[tilespmem:$0x1CC90] =	vst v0  }
0x47: {  	[tilespmem:$0x1CCA0] =	vst v0  }
0x48: {  	[tilespmem:$0x1CCB0] =	vst v0  }
0x49: {  	[tilespmem:$0x1CCC0] =	vst v0  }
0x4a: {  	[tilespmem:$0x1CCD0] =	vst v0  }
0x4b: {  	[tilespmem:$0x1CCE0] =	vst v0  }
0x4c: {  	[tilespmem:$0x1CCF0] =	vst v0  }
0x4d: {  	[tilespmem:$0x1CD00] =	vst v0  }
0x4e: {  	[tilespmem:$0x1CD10] =	vst v0  }
0x4f: {  	[tilespmem:$0x1CD20] =	vst v0  }
0x50: {  	[tilespmem:$0x1CD30] =	vst v0  }
0x51: {  	[tilespmem:$0x1CD40] =	vst v0  }
0x52: {  	[tilespmem:$0x1CD50] =	vst v0  }
0x53: {  	[tilespmem:$0x1CD60] =	vst v0  }
0x54: {  	[tilespmem:$0x1CD70] =	vst v0  }
0x55: {  	[tilespmem:$0x1CA80] =	vst v1  }
0x56: {  	[tilespmem:$0x1CA90] =	vst v1  }
0x57: {  	[tilespmem:$0x1CAA0] =	vst v1  }
0x58: {  	[tilespmem:$0x1CAB0] =	vst v1  }
0x59: {  	[tilespmem:$0x1CAC0] =	vst v1  }
0x5a: {  	[tilespmem:$0x1CAD0] =	vst v1  }
0x5b: {  	[tilespmem:$0x1CAE0] =	vst v1  }
0x5c: {  	[tilespmem:$0x1CAF0] =	vst v1  }
0x5d: {  	[spmem:s8] =	stream.linear.scatter [tilespmem:s26], [sflag:$0x9], $0x4000, $0x38;
	[tilespmem:$0x1CD80] =	vst v63  }
0x5e: {  	_ =	swait.ge [sflag:s28], $0x4000  }
0x5f: {  	[sflag:s28] =	ssyncset.done $0x0  }
0x60: {  	[sflag:s28] =	ssyncadd.s32 $0xFFFFC000  }
0x61: {  	[spmem:s9] =	stream.linear.scatter [tilespmem:s26], [sflag:$0x9], $0x4000, $0x38;
	[tilespmem:$0x1CD80] =	vst v63  }
0x62: {  	_ =	swait.ge [sflag:s28], $0x4000  }
0x63: {  	[sflag:s28] =	ssyncset.done $0x0  }
0x64: {  	[sflag:s28] =	ssyncadd.s32 $0xFFFFC000  }
0x65: {  	[spmem:s23] =	stream.linear.scatter [tilespmem:s26], [sflag:$0x9], $0x4000, $0x38;
	[tilespmem:$0x1CD80] =	vst v63  }
0x66: {  	_ =	swait.ge [sflag:s28], $0x4000  }
0x67: {  	[sflag:s28] =	ssyncset.done $0x0  }
0x68: {  	[sflag:s28] =	ssyncadd.s32 $0xFFFFC000  }
0x69: {  	[spmem:s24] =	stream.linear.scatter [tilespmem:s26], [sflag:$0x9], $0x4000, $0x38;
	[tilespmem:$0x1CD80] =	vst v63  }
0x6a: {  	_ =	swait.ge [sflag:s28], $0x4000  }
0x6b: {  	[sflag:s28] =	ssyncset.done $0x0  }
0x6c: {  	[sflag:s28] =	ssyncadd.s32 $0xFFFFC000  }
0x6d: {  	[spmem:s30] =	stream.linear.scatter [tilespmem:s26], [sflag:$0x9], $0x4000, $0x38;
	[tilespmem:$0x1CD80] =	vst v63  }
0x6e: {  	_ =	swait.ge [sflag:s28], $0x4000  }
0x6f: {  	[sflag:s28] =	ssyncset.done $0x0  }
0x70: {  	s3 =	simm.s32 $0x1CB00;
	s1 =	rddreg [dreg:$0x6];
	[sflag:s28] =	ssyncadd.s32 $0xFFFFC000  }
0x71: {  	[spmem:s1] =	stream.linear.scatter [tilespmem:s3], [sflag:$0x9], $0x280, $0x38;
	[tilespmem:$0x1CD80] =	vst v63  }
0x72: {  	_ =	swait.ge [sflag:s28], $0x280  }
0x73: {  	[sflag:s28] =	ssyncset.done $0x0  }
0x74: {  	s10 =	smov.u32 s9;
	[sflag:s28] =	ssyncadd.s32 $0xFFFFFD80  }
0x75: {  	s11 =	smov.u32 s23;
	s12 =	smov.u32 s24;
	[bflag:$0x0] =	sbarrier.arrive $0xFFFF  }
0x76: {  	s21 =	simm.s32 $0x0;
	s3 =	simm.s32 $0x14280;
	s9 =	rddreg [dreg:$0x7]  }
0x77: {  	[tilespmem:s3], [sflag:$0x7] =	stream.linear.gather [hbm4b:s9+s21], $0x200, $0x38;
	[tilespmem:$0x1CD80] =	vst v63  }
0x78: {  	s23 =	simm.s32 $0x14680;
	s24 =	simm.s32 $0x7;
	s22 =	rddreg [dreg:$0x8]  }
0x79: {  	[tilespmem:s23], [sflag:$0x8] =	stream.linear.gather [hbm4b:s22+s21], $0x200, $0x38;
	[tilespmem:$0x1CD80] =	vst v63  }
0x7a: {  	_ =	swait.ge [sflag:s24], $0x200  }
0x7b: {  	[sflag:s24] =	ssyncset.done $0x0  }
0x7c: {  	s13 =	smov.u32 s30;
	s30 =	simm.s32 $0x8;
	[sflag:s24] =	ssyncadd.s32 $0xFFFFFE00  }
0x7d: {  	_ =	swait.ge [sflag:s30], $0x200  }
0x7e: {  	[sflag:s30] =	ssyncset.done $0x0  }
0x7f: {  	s22 =	simm.s32 $0x14480;
	s9 =	rddreg [dreg:$0x9];
	[sflag:s30] =	ssyncadd.s32 $0xFFFFFE00  }
0x80: {  	[tilespmem:s22], [sflag:$0x7] =	stream.linear.gather [hbm4b:s9+s21], $0x200, $0x38;
	[tilespmem:$0x1CD80] =	vst v63  }
0x81: {  	s24 =	simm.s32 $0x14880;
	s23 =	rddreg [dreg:$0xa]  }
0x82: {  	[tilespmem:s24], [sflag:$0x8] =	stream.linear.gather [hbm4b:s23+s21], $0x200, $0x38;
	[tilespmem:$0x1CD80] =	vst v63  }
0x83: {  	_ = 	snop  }
0x84: {  	[tilespmem:s26], [sflag:$0x1] =	stream.indirect.gather [hbm4b:s0+s29], $0x80, s3, s29, $0xb8;
	[tilespmem:$0x1CD80] =	vst v63  }
0x85: {  	s30 =	simm.s32 $0x14300;
	s22 =	simm.s32 $0x0;
	s23 =	simm.s32 $0x0  }
0x86: {  	[tilespmem:s31], [sflag:$0x2] =	stream.indirect.gather [hbm4b:s0+s29], $0x80, s30, s29, $0xb8;
	[tilespmem:$0x1CD80] =	vst v63  }
.LBB2_4:
0x87: {  	p0 =	seq.s32 s21, $0x13  }
0x88: {  	s24 =	simm.s32 @!p0 $0x7  }
0x89: {  	_ =	swait.ge @!p0 [sflag:s24], $0x200  }
0x8a: {  	[sflag:s24] =	ssyncset.done @!p0 $0x0  }
0x8b: {  	[sflag:s24] =	ssyncadd.s32 @!p0 $0xFFFFFE00;
	s24 =	simm.s32 @!p0 $0x8  }
0x8c: {  	_ =	swait.ge @!p0 [sflag:s24], $0x200  }
0x8d: {  	[sflag:s24] =	ssyncset.done @!p0 $0x0  }
0x8e: {  	[sflag:s24] =	ssyncadd.s32 @!p0 $0xFFFFFE00  }
0x8f: {  	_ =	swait.ge [sflag:s14], $0x4000  }
0x90: {  	s30 =	sand.u32 $0x200, s22;
	[sflag:s14] =	ssyncset.done $0x0  }
0x91: {  	s24 =	sadd.s32 $0x14680, s30;
	[sflag:s14] =	ssyncadd.s32 $0xFFFFC000  }
0x92: {  	[spmem:s4] =	stream.indirect.scatter.add.f32 [tilespmem:s26], [sflag:$0x3], $0x80, s24, s29, $0xb8;
	[tilespmem:$0x1CD80] =	vst v63  }
0x93: {  	_ = 	snop  }
0x94: {  	[spmem:s5] =	stream.indirect.scatter.add.f32 [tilespmem:s15], [sflag:$0x5], $0x1, s24, s29, $0xb8;
	[tilespmem:$0x1CD80] =	vst v63  }
0x95: {  	_ =	swait.ge [sflag:s16], $0x4000  }
0x96: {  	[sflag:s16] =	ssyncset.done $0x0  }
0x97: {  	[sflag:s16] =	ssyncadd.s32 $0xFFFFC000  }
0x98: {  	_ =	swait.ge [sflag:s17], $0x80  }
0x99: {  	[sflag:s17] =	ssyncset.done $0x0  }
0x9a: {  	s3 =	sadd.s32 $0x14380, s30;
	[sflag:s17] =	ssyncadd.s32 $0xFFFFFF80  }
0x9b: {  	[tilespmem:s26], [sflag:$0x1] =	stream.indirect.gather [hbm4b:s0+s29], $0x80, s3, s29, $0xb8;
	[tilespmem:$0x1CD80] =	vst v63  }
0x9c: {  	_ =	swait.ge [sflag:s18], $0x4000  }
0x9d: {  	[sflag:s18] =	ssyncset.done $0x0  }
0x9e: {  	s1 =	sadd.s32 $0x14700, s30;
	[sflag:s18] =	ssyncadd.s32 $0xFFFFC000  }
0x9f: {  	[spmem:s4] =	stream.indirect.scatter.add.f32 [tilespmem:s31], [sflag:$0x4], $0x80, s1, s29, $0xb8;
	[tilespmem:$0x1CD80] =	vst v63  }
0xa0: {  	_ = 	snop  }
0xa1: {  	[spmem:s5] =	stream.indirect.scatter.add.f32 [tilespmem:s15], [sflag:$0x6], $0x1, s1, s29, $0xb8;
	[tilespmem:$0x1CD80] =	vst v63  }
0xa2: {  	_ =	swait.ge [sflag:s19], $0x4000  }
0xa3: {  	[sflag:s19] =	ssyncset.done $0x0  }
0xa4: {  	[sflag:s19] =	ssyncadd.s32 $0xFFFFC000  }
0xa5: {  	_ =	swait.ge [sflag:s20], $0x80  }
0xa6: {  	[sflag:s20] =	ssyncset.done $0x0  }
0xa7: {  	s9 =	sor.u32 $0x14400, s30;
	[sflag:s20] =	ssyncadd.s32 $0xFFFFFF80  }
0xa8: {  	[tilespmem:s31], [sflag:$0x2] =	stream.indirect.gather [hbm4b:s0+s29], $0x80, s9, s29, $0xb8;
	[tilespmem:$0x1CD80] =	vst v63  }
0xa9: {  	_ =	swait.ge [sflag:s14], $0x4000  }
0xaa: {  	[sflag:s14] =	ssyncset.done $0x0  }
0xab: {  	s1 =	sadd.s32 $0x14780, s30;
	[sflag:s14] =	ssyncadd.s32 $0xFFFFC000  }
0xac: {  	[spmem:s4] =	stream.indirect.scatter.add.f32 [tilespmem:s26], [sflag:$0x3], $0x80, s1, s29, $0xb8;
	[tilespmem:$0x1CD80] =	vst v63  }
0xad: {  	_ = 	snop  }
0xae: {  	[spmem:s5] =	stream.indirect.scatter.add.f32 [tilespmem:s15], [sflag:$0x5], $0x1, s1, s29, $0xb8;
	[tilespmem:$0x1CD80] =	vst v63  }
0xaf: {  	_ =	swait.ge [sflag:s16], $0x4000  }
0xb0: {  	[sflag:s16] =	ssyncset.done $0x0  }
0xb1: {  	[sflag:s16] =	ssyncadd.s32 $0xFFFFC000  }
0xb2: {  	_ =	swait.ge [sflag:s17], $0x80  }
0xb3: {  	s3 =	ssub.s32 @!p0 $0x14480, s30;
	[sflag:s17] =	ssyncset.done $0x0  }
0xb4: {  	s9 =	simm.s32 @!p0 $0x14A80;
	s1 =	simm.s32 @!p0 $0x80;
	[sflag:s17] =	ssyncadd.s32 $0xFFFFFF80  }
0xb5: {  	[tilespmem:s9], [sflag:$0x1] =	stream.indirect.gather @!p0 [hbm4b:s0+s1], $0x80, s3, s1, $0xb8;
	[tilespmem:$0x1CD80] =	vst v63  }
0xb6: {  	_ =	swait.ge [sflag:s18], $0x4000  }
0xb7: {  	s9 =	sor.u32 $0x180, s30;
	[sflag:s18] =	ssyncset.done $0x0  }
0xb8: {  	s3 =	sadd.s32 $0x14680, s9;
	[sflag:s18] =	ssyncadd.s32 $0xFFFFC000  }
0xb9: {  	[spmem:s4] =	stream.indirect.scatter.add.f32 [tilespmem:s31], [sflag:$0x4], $0x80, s3, s29, $0xb8;
	[tilespmem:$0x1CD80] =	vst v63  }
0xba: {  	_ = 	snop  }
0xbb: {  	[spmem:s5] =	stream.indirect.scatter.add.f32 [tilespmem:s15], [sflag:$0x6], $0x1, s3, s29, $0xb8;
	[tilespmem:$0x1CD80] =	vst v63  }
0xbc: {  	_ =	swait.ge [sflag:s19], $0x4000  }
0xbd: {  	[sflag:s19] =	ssyncset.done $0x0  }
0xbe: {  	[sflag:s19] =	ssyncadd.s32 $0xFFFFC000  }
0xbf: {  	p1 =	sgt.u32 @!p0 s21, $0x11;
	_ =	swait.ge [sflag:s20], $0x80  }
0xc0: {  	p1 =	por p1, p0;
	[sflag:s20] =	ssyncset.done $0x0  }
0xc1: {  	s9 =	simm.s32 @!p0 $0x18A80;
	s3 =	ssub.s32 @!p0 $0x14500, s30;
	[sflag:s20] =	ssyncadd.s32 $0xFFFFFF80  }
0xc2: {  	[tilespmem:s9], [sflag:$0x2] =	stream.indirect.gather @!p0 [hbm4b:s0+s1], $0x80, s3, s1, $0xb8;
	[tilespmem:$0x1CD80] =	vst v63  }
0xc3: {  	s1 =	sadd.s32 @!p1 s23, s25  }
0xc4: {  	s3 =	sand.u32 @!p1 $0x40, s23;
	s1 =	sand.u32 @!p1 $0xFFFFF80, s1  }
0xc5: {  	s1 =	sor.u32 @!p1 s3, s1  }
0xc6: {  	s3 =	sadd.s32 @!p1 $0x14280, s30;
	s30 =	simm.s32 @!p1 $0x0;
	s9 =	sadd.s32 @!p1 s2, s1  }
0xc7: {  	[tilespmem:s3], [sflag:$0x7] =	stream.linear.gather @!p1 [hbm4b:s9+s30], $0x200, $0x38;
	[tilespmem:$0x1CD80] =	vst v63  }
0xc8: {  	s21 =	sadd.s32 $0x1, s21;
	s1 =	sadd.s32 @!p1 s7, s1  }
0xc9: {  	[tilespmem:s24], [sflag:$0x8] =	stream.linear.gather @!p1 [hbm4b:s1+s30], $0x200, $0x38;
	[tilespmem:$0x1CD80] =	vst v63  }
0xca: {  	p1 =	sne.s32 @!p0 s21, $0x14  }
0xcb: {  	p1 =	por p0, !p1  }
.Ltmp1:
0xcc: {  	_ = 	snop;
	(pc) =	sbr.rel @!p1 .LBB2_4-.Ltmp1, $2  }
0xcd: {  	_ =	sdelay $0x2  }
0xce: {  	s22 =	sadd.s32 @!p0 $0x200, s22;
	s23 =	sadd.s32 @!p0 $0x40, s23  }
0xcf: {  	s1 =	stileid.u32  }
0xd0: {  	[bflag:$0x0] =	sbarrier.arrive $0xFFFF;
	s1 =	sshll.u32 s1, $0x6  }
0xd1: {  	s3 =	sshrl.u32 s8, $0x3;
	s9 =	rddreg [dreg:$0xb];
	s1 =	sor.u32 $0x1C09, s1  }
0xd2: {  	[hbm:s9], [sflag:s1] =	dma.local [spmem:s3], $0x800  }
0xd3: {  	_ =	swait.ge [sflag:s28], $0x800  }
0xd4: {  	[sflag:s28] =	ssyncset.done $0x0  }
0xd5: {  	s23 =	sshrl.u32 s10, $0x3;
	s24 =	rddreg [dreg:$0xc];
	[sflag:s28] =	ssyncadd.s32 $0xFFFFF800  }
0xd6: {  	[hbm:s24], [sflag:s1] =	dma.local [spmem:s23], $0x800  }
0xd7: {  	_ =	swait.ge [sflag:s28], $0x800  }
0xd8: {  	s9 =	smov.u32 s10;
	s10 =	sshrl.u32 s11, $0x3;
	[sflag:s28] =	ssyncset.done $0x0  }
0xd9: {  	s23 =	smov.u32 s11;
	s11 =	rddreg [dreg:$0xd];
	[sflag:s28] =	ssyncadd.s32 $0xFFFFF800  }
0xda: {  	[hbm:s11], [sflag:s1] =	dma.local [spmem:s10], $0x800  }
0xdb: {  	_ =	swait.ge [sflag:s28], $0x800  }
0xdc: {  	[sflag:s28] =	ssyncset.done $0x0  }
0xdd: {  	s21 =	sshrl.u32 s12, $0x3;
	s22 =	rddreg [dreg:$0xe];
	[sflag:s28] =	ssyncadd.s32 $0xFFFFF800  }
0xde: {  	[hbm:s22], [sflag:s1] =	dma.local [spmem:s21], $0x800  }
0xdf: {  	_ =	swait.ge [sflag:s28], $0x800  }
0xe0: {  	s24 =	smov.u32 s12;
	[sflag:s28] =	ssyncset.done $0x0  }
0xe1: {  	s11 =	sshrl.u32 s13, $0x3;
	s12 =	rddreg [dreg:$0xf];
	[sflag:s28] =	ssyncadd.s32 $0xFFFFF800  }
0xe2: {  	[hbm:s12], [sflag:s1] =	dma.local [spmem:s11], $0x800  }
0xe3: {  	_ =	swait.ge [sflag:s28], $0x800  }
0xe4: {  	s30 =	smov.u32 s13;
	[sflag:s28] =	ssyncset.done $0x0;
	s13 =	rddreg [dreg:$0x6]  }
0xe5: {  	s21 =	rddreg [dreg:$0x10];
	[sflag:s28] =	ssyncadd.s32 $0xFFFFF800;
	s3 =	sshrl.u32 s13, $0x3  }
0xe6: {  	[hbm:s21], [sflag:s1] =	dma.local [spmem:s3], $0x50  }
0xe7: {  	_ =	swait.ge [sflag:s28], $0x50  }
0xe8: {  	s6 =	sadd.s32 $0x1, s6;
	s22 =	rddreg [dreg:$0x11]  }
0xe9: {  	p0 =	sne.s32 s6, s22  }
.Ltmp2:
0xea: {  	_ = 	snop;
	(pc) =	sbr.rel @p0 .LBB2_1-.Ltmp2, $3  }
0xeb: {  	_ =	sdelay $0x1  }
0xec: {  	[sflag:s28] =	ssyncset.done $0x0  }
0xed: {  	[sflag:s28] =	ssyncadd.s32 $0xFFFFFFB0  }
0xee: {  	_ =	sfence.sel $0x180000  }
0xef: {  	[bflag:$0x0] =	sbarrier.arrive $0xFFFF  }
0xf0: {  	_ =	strace $0x90000047  }
0xf1: {  	s0 =	stileid.u32;
	[bflag:$0x2] =	sbarrier.arrive $0xFFFF  }
0xf2: {  	p0 =	sne.s32 s0, $0x0;
	s0 =	rddreg [dreg:$0x5]  }
0xf3: {  	s0 =	sadd.s32 @!p0 $0x100000, s0  }
0xf4: {  	[sflag:s0] =	ssyncadd.tile.s32 @!p0 $0x1;
	_ =	shalt  }
.Lfunc_end2:
_tile_overlayer_lowered:
.L_overlay_start_2:
0xf5: {  	(tag) =	ssettag $0x2  }
0xf6: {  	s0 =	rddreg [dreg:$0x0];
	s2 =	stileid.u32  }
0xf7: {  	s1 =	rddreg [dreg:$0x1];
	p0 =	sne.s32 s2, $0x0  }
0xf8: {  	s3 =	rddreg [dreg:$0x2];
	[bflag:$0x3] =	sbarrier.arrive $0xFFFF;
	s2 =	simm.s32 @!p0 $0x1C09  }
0xf9: {  	[timem:s3], [sflag:s2] =	dma.local @!p0 [hbm:s0], s1  }
0xfa: {  	s0 =	simm.s32 @!p0 $0x9  }
0xfb: {  	_ =	swait.ge @!p0 [sflag:s0], s1  }
0xfc: {  	s1 =	ssub.s32 @!p0 $0x0, s1;
	[sflag:s0] =	ssyncset.done @!p0 $0x0  }
0xfd: {  	[sflag:s0] =	ssyncadd.s32 @!p0 s1  }
0xfe: {  	[bflag:$0x3] =	sbarrier.arrive $0xFFFF  }
0xff: {  	_ =	shalt  }

</sc_bundles>
